<compile_context>
chip_gen: v7x
topology: tpu7x:2x2x1
jax: 0.10.2.dev20260603
libtpu: 0.0.44.dev20260713+nightly
codegen_flags: <defaults>
</compile_context>

<pallas_src>
import functools

import jax
import jax.numpy as jnp
from jax import lax
from jax.experimental import pallas as pl
from jax.experimental.pallas import tpu as pltpu
from jax.experimental.pallas import tpu_sc as plsc

B = 2
N = 10000
E = 320000
D = 128
R = B * (N + E)
NC, NS = 2, 16
NW = NC * NS
W = 96
G = 3
NWIN = R // W
WPT = -(-(-(-NWIN // NW)) // G) * G
RPAD = NW * WPT * W
SLAB = WPT * W


def _gunpool_sc(xh, idx0, idx1):
    mesh = plsc.VectorSubcoreMesh(core_axis_name="c", subcore_axis_name="s")

    @functools.partial(
        pl.kernel,
        out_type=jax.ShapeDtypeStruct((R, D), jnp.float32),
        mesh=mesh,
        scratch_types=[
            pltpu.VMEM((SLAB,), jnp.int32),
            pltpu.VMEM((SLAB,), jnp.int32),
        ]
        + [pltpu.VMEM((W, D), jnp.float32)] * (2 * G + 1)
        + [pltpu.SemaphoreType.DMA] * (2 * G + 1),
    )
    def k(x_hbm, i0_hbm, i1_hbm, out_hbm, i0_all, i1_all, *rest):
        bufs = rest[: 2 * G + 1]
        sems = rest[2 * G + 1 :]
        stb, sst = bufs[2 * G], sems[2 * G]
        slots = [
            (bufs[2 * j], bufs[2 * j + 1], sems[2 * j], sems[2 * j + 1])
            for j in range(G)
        ]

        wid = lax.axis_index("s") * NC + lax.axis_index("c")
        half = jnp.full((16,), 0.5, jnp.float32)
        slab = wid + (wid == 16).astype(jnp.int32) - (wid == 17).astype(jnp.int32)
        base_win = slab * WPT

        pltpu.sync_copy(i0_hbm.at[pl.ds(slab * SLAB, SLAB)], i0_all)
        pltpu.sync_copy(i1_hbm.at[pl.ds(slab * SLAB, SLAB)], i1_all)

        def gwin(s):
            return base_win + s

        def live(s):
            return gwin(s) < NWIN

        def gather(s, j):
            d0, d1, s0, s1 = slots[j]

            @pl.when(jnp.logical_and(live(s), s < WPT))
            def _():
                pltpu.async_copy(x_hbm.at[i0_all.at[pl.ds(s * W, W)]], d0, s0)
                pltpu.async_copy(x_hbm.at[i1_all.at[pl.ds(s * W, W)]], d1, s1)

        def wait_gather(s, j):
            d0, d1, s0, s1 = slots[j]

            @pl.when(live(s))
            def _():
                pltpu.make_async_copy(
                    x_hbm.at[i0_all.at[pl.ds(s * W, W)]], d0, s0).wait()
                pltpu.make_async_copy(
                    x_hbm.at[i1_all.at[pl.ds(s * W, W)]], d1, s1).wait()

        def wait_store(s):
            pltpu.make_async_copy(
                stb, out_hbm.at[pl.ds(gwin(s) * W, W)], sst).wait()

        def accum_store(s, j):
            d0, d1, _, _ = slots[j]

            @pl.when(live(s))
            def _():
                @pl.when(s > 0)
                def _():
                    wait_store(s - 1)

                @pl.loop(0, W)
                def _(r):
                    for c in range(0, D, 16):
                        stb[r, pl.ds(c, 16)] = half * (
                            d0[r, pl.ds(c, 16)] + d1[r, pl.ds(c, 16)])

                pltpu.async_copy(stb, out_hbm.at[pl.ds(gwin(s) * W, W)], sst)

        for j in range(G):
            gather(j, j)

        @pl.loop(0, WPT // G)
        def _(it):
            base = it * G
            for j in range(G):
                s = base + j
                wait_gather(s, j)
                accum_store(s, j)
                gather(s + G, j)

        live_wins = jnp.clip(NWIN - base_win, 0, WPT)
        wait_store(live_wins - 1)

    return k(xh, idx0, idx1)


def kernel(inputs, unpool_idx):
    u0 = unpool_idx[:, 0].astype(jnp.int32)
    u1 = unpool_idx[:, 1].astype(jnp.int32)
    ar = jnp.arange(N, dtype=jnp.int32)
    pad = jnp.zeros((RPAD - R,), jnp.int32)
    idx0 = jnp.concatenate([ar, u0, ar + N, u0 + N, pad])
    idx1 = jnp.concatenate([ar, u1, ar + N, u1 + N, pad])
    xh = inputs.reshape(B * N, D)
    out = _gunpool_sc(xh, idx0, idx1)
    return out.reshape(B, N + E, D)

# --- scband reference (transcript-rebuilt; emitter-appended) ---
"""Pipeline reference for scband-gunpooling-90022514524187 (READ-ONLY COPY).

The authoritative reference and input builder live on the scoring server;
editing this copy changes nothing except your own understanding.
"""

import jax, jax.numpy as jnp
import numpy as np


def setup_inputs(seed: int = 0) -> dict:
    key = jax.random.key(seed)
    k1, k2 = jax.random.split(key)
    inputs = jax.random.normal(k1, (2, 10000, 128), dtype=jnp.float32)
    unpool_idx = jax.random.randint(k2, (320000, 2), 0, 10000, dtype=jnp.int64) if jax.config.jax_enable_x64 else jax.random.randint(k2, (320000, 2), 0, 10000).astype(jnp.int32)
    return {"inputs": inputs, "unpool_idx": unpool_idx}


def reference(inputs, unpool_idx):
    # Gather edge endpoint features: [B, E, 2, d]
    new_features = jnp.take(inputs, unpool_idx, axis=1)
    # Midpoint of each edge: average of the two endpoint features -> [B, E, d]
    new_vertices = new_features.sum(axis=2) / 2
    # Append new midpoint vertices to the original vertex set -> [B, N+E, d]
    output = jnp.concatenate([inputs, new_vertices], axis=1)
    return output

if __name__ == "__main__":
    import jax
    _d = setup_inputs()
    print(jax.jit(kernel)(*tuple(_d.values())))

</pallas_src>

<mosaic_0001>
#map = affine_map<(d0, d1) -> (0, 0)>
#map1 = affine_map<(d0, d1) -> (0)>
module attributes {stable_mosaic.version = 14 : i64} {
  func.func @k(%arg0: i32, %arg1: i32, %arg2: memref<20000x128xf32, #tpu.memory_space<hbm>>, %arg3: memref<663552xi32, #tpu.memory_space<hbm>>, %arg4: memref<663552xi32, #tpu.memory_space<hbm>>, %arg5: memref<660000x128xf32, #tpu.memory_space<hbm>>, %arg6: memref<20736xi32, #tpu.memory_space<vmem>>, %arg7: memref<20736xi32, #tpu.memory_space<vmem>>, %arg8: memref<96x128xf32, #tpu.memory_space<vmem>>, %arg9: memref<96x128xf32, #tpu.memory_space<vmem>>, %arg10: memref<96x128xf32, #tpu.memory_space<vmem>>, %arg11: memref<96x128xf32, #tpu.memory_space<vmem>>, %arg12: memref<96x128xf32, #tpu.memory_space<vmem>>, %arg13: memref<96x128xf32, #tpu.memory_space<vmem>>, %arg14: memref<96x128xf32, #tpu.memory_space<vmem>>, %arg15: memref<!tpu.dma_semaphore, #tpu.memory_space<semaphore_mem>>, %arg16: memref<!tpu.dma_semaphore, #tpu.memory_space<semaphore_mem>>, %arg17: memref<!tpu.dma_semaphore, #tpu.memory_space<semaphore_mem>>, %arg18: memref<!tpu.dma_semaphore, #tpu.memory_space<semaphore_mem>>, %arg19: memref<!tpu.dma_semaphore, #tpu.memory_space<semaphore_mem>>, %arg20: memref<!tpu.dma_semaphore, #tpu.memory_space<semaphore_mem>>, %arg21: memref<!tpu.dma_semaphore, #tpu.memory_space<semaphore_mem>>) attributes {dimension_semantics = [#tpu.dimension_semantics<core_parallel>, #tpu.dimension_semantics<subcore_parallel>], iteration_bounds = array<i64: 2, 16>, scalar_prefetch = 0 : i64, scratch_operands = 16 : i64, tpu.core_type = #tpu.core_type<sc_vector_subcore>, window_params = [{transform_indices = #map}, {transform_indices = #map1}, {transform_indices = #map1}, {transform_indices = #map}]} {
    %mul3A = arith.constant 2 : i32
    %mul3A_0 = arith.muli %arg1, %mul3A : i32
    %add3A = arith.addi %mul3A_0, %arg0 : i32
    %broadcast_in_dim3A = arith.constant 5.000000e-01 : f32
    %broadcast_in_dim3A_1 = vector.broadcast %broadcast_in_dim3A : f32 to vector<16xf32>
    %eq3A = arith.constant 16 : i32
    %eq3A_2 = arith.cmpi eq, %add3A, %eq3A : i32
    %convert_element_type3A = arith.extui %eq3A_2 : i1 to i32
    %add3A_3 = arith.addi %add3A, %convert_element_type3A : i32
    %eq3A_4 = arith.constant 17 : i32
    %eq3A_5 = arith.cmpi eq, %add3A, %eq3A_4 : i32
    %convert_element_type3A_6 = arith.extui %eq3A_5 : i1 to i32
    %sub3A = arith.subi %add3A_3, %convert_element_type3A_6 : i32
    %mul3A_7 = arith.constant 216 : i32
    %mul3A_8 = arith.muli %sub3A, %mul3A_7 : i32
    %mul3A_9 = arith.constant 20736 : i32
    %mul3A_10 = arith.muli %sub3A, %mul3A_9 : i32
    "tpu.region"() ({
      %run_scoped3A = tpu.sem_alloc : memref<!tpu.dma_semaphore, #tpu.memory_space<semaphore_mem>>
      %dma_start3A = tpu.memref_slice %arg3[%mul3A_10] : memref<663552xi32, #tpu.memory_space<hbm>> -> memref<20736xi32, #tpu.memory_space<hbm>>
      %dma_start3A_52 = tpu.memref_slice %arg3[%mul3A_10] : memref<663552xi32, #tpu.memory_space<hbm>> -> memref<20736xi32, #tpu.memory_space<hbm>>
      tpu.enqueue_dma source(%dma_start3A_52 : memref<20736xi32, #tpu.memory_space<hbm>>) target(%arg6 : memref<20736xi32, #tpu.memory_space<vmem>>) target_semaphore(%run_scoped3A : memref<!tpu.dma_semaphore, #tpu.memory_space<semaphore_mem>>)
      %dma_wait3A_53 = tpu.memref_slice %arg3[%mul3A_10] : memref<663552xi32, #tpu.memory_space<hbm>> -> memref<20736xi32, #tpu.memory_space<hbm>>
      %dma_wait3A_54 = tpu.memref_slice %arg3[%mul3A_10] : memref<663552xi32, #tpu.memory_space<hbm>> -> memref<20736xi32, #tpu.memory_space<hbm>>
      tpu.wait_dma2 semaphore(%run_scoped3A : memref<!tpu.dma_semaphore, #tpu.memory_space<semaphore_mem>>) src(%dma_wait3A_54 : memref<20736xi32, #tpu.memory_space<hbm>>) dst(%arg6 : memref<20736xi32, #tpu.memory_space<vmem>>)
      tpu.yield
    }) : () -> ()
    %mul3A_11 = arith.constant 20736 : i32
    %mul3A_12 = arith.muli %sub3A, %mul3A_11 : i32
    "tpu.region"() ({
      %run_scoped3A = tpu.sem_alloc : memref<!tpu.dma_semaphore, #tpu.memory_space<semaphore_mem>>
      %dma_start3A = tpu.memref_slice %arg4[%mul3A_12] : memref<663552xi32, #tpu.memory_space<hbm>> -> memref<20736xi32, #tpu.memory_space<hbm>>
      %dma_start3A_52 = tpu.memref_slice %arg4[%mul3A_12] : memref<663552xi32, #tpu.memory_space<hbm>> -> memref<20736xi32, #tpu.memory_space<hbm>>
      tpu.enqueue_dma source(%dma_start3A_52 : memref<20736xi32, #tpu.memory_space<hbm>>) target(%arg7 : memref<20736xi32, #tpu.memory_space<vmem>>) target_semaphore(%run_scoped3A : memref<!tpu.dma_semaphore, #tpu.memory_space<semaphore_mem>>)
      %dma_wait3A_53 = tpu.memref_slice %arg4[%mul3A_12] : memref<663552xi32, #tpu.memory_space<hbm>> -> memref<20736xi32, #tpu.memory_space<hbm>>
      %dma_wait3A_54 = tpu.memref_slice %arg4[%mul3A_12] : memref<663552xi32, #tpu.memory_space<hbm>> -> memref<20736xi32, #tpu.memory_space<hbm>>
      tpu.wait_dma2 semaphore(%run_scoped3A : memref<!tpu.dma_semaphore, #tpu.memory_space<semaphore_mem>>) src(%dma_wait3A_54 : memref<20736xi32, #tpu.memory_space<hbm>>) dst(%arg7 : memref<20736xi32, #tpu.memory_space<vmem>>)
      tpu.yield
    }) : () -> ()
    %add3A_13 = arith.constant 0 : i32
    %add3A_14 = arith.addi %mul3A_8, %add3A_13 : i32
    %lt3A = arith.constant 6875 : i32
    %lt3A_15 = arith.cmpi slt, %add3A_14, %lt3A : i32
    %and3A = arith.constant true
    %and3A_16 = arith.andi %lt3A_15, %and3A : i1
    %convert_element_type3A_17 = arith.extui %and3A_16 : i1 to i32
    %cond3A = arith.constant 0 : i32
    %cond3A_18 = arith.cmpi ne, %convert_element_type3A_17, %cond3A : i32
    scf.if %cond3A_18 {
      %dma_start3A = arith.constant 0 : i32
      %dma_start3A_52 = tpu.memref_slice %arg6[%dma_start3A] : memref<20736xi32, #tpu.memory_space<vmem>> -> memref<96xi32, #tpu.memory_space<vmem>>
      %dma_start3A_53 = arith.constant 0 : i32
      %dma_start3A_54 = arith.constant 0 : i32
      %dma_start3A_55 = tpu.memref_slice %arg2[%dma_start3A_53, %dma_start3A_54] : memref<20000x128xf32, #tpu.memory_space<hbm>> -> memref<20000x128xf32, #tpu.memory_space<hbm>>
      tpu.enqueue_indirect_dma source(%dma_start3A_55 : memref<20000x128xf32, #tpu.memory_space<hbm>>) target(%arg8 : memref<96x128xf32, #tpu.memory_space<vmem>>) offsets(%dma_start3A_52 : memref<96xi32, #tpu.memory_space<vmem>>) semaphore(%arg15 : memref<!tpu.dma_semaphore, #tpu.memory_space<semaphore_mem>>)
      %dma_start3A_56 = arith.constant 0 : i32
      %dma_start3A_57 = tpu.memref_slice %arg7[%dma_start3A_56] : memref<20736xi32, #tpu.memory_space<vmem>> -> memref<96xi32, #tpu.memory_space<vmem>>
      %dma_start3A_58 = arith.constant 0 : i32
      %dma_start3A_59 = arith.constant 0 : i32
      %dma_start3A_60 = tpu.memref_slice %arg2[%dma_start3A_58, %dma_start3A_59] : memref<20000x128xf32, #tpu.memory_space<hbm>> -> memref<20000x128xf32, #tpu.memory_space<hbm>>
      tpu.enqueue_indirect_dma source(%dma_start3A_60 : memref<20000x128xf32, #tpu.memory_space<hbm>>) target(%arg9 : memref<96x128xf32, #tpu.memory_space<vmem>>) offsets(%dma_start3A_57 : memref<96xi32, #tpu.memory_space<vmem>>) semaphore(%arg16 : memref<!tpu.dma_semaphore, #tpu.memory_space<semaphore_mem>>)
    } else {
    }
    %add3A_19 = arith.constant 1 : i32
    %add3A_20 = arith.addi %mul3A_8, %add3A_19 : i32
    %lt3A_21 = arith.constant 6875 : i32
    %lt3A_22 = arith.cmpi slt, %add3A_20, %lt3A_21 : i32
    %and3A_23 = arith.constant true
    %and3A_24 = arith.andi %lt3A_22, %and3A_23 : i1
    %convert_element_type3A_25 = arith.extui %and3A_24 : i1 to i32
    %cond3A_26 = arith.constant 0 : i32
    %cond3A_27 = arith.cmpi ne, %convert_element_type3A_25, %cond3A_26 : i32
    scf.if %cond3A_27 {
      %dma_start3A = arith.constant 96 : i32
      %dma_start3A_52 = tpu.memref_slice %arg6[%dma_start3A] : memref<20736xi32, #tpu.memory_space<vmem>> -> memref<96xi32, #tpu.memory_space<vmem>>
      %dma_start3A_53 = arith.constant 0 : i32
      %dma_start3A_54 = arith.constant 0 : i32
      %dma_start3A_55 = tpu.memref_slice %arg2[%dma_start3A_53, %dma_start3A_54] : memref<20000x128xf32, #tpu.memory_space<hbm>> -> memref<20000x128xf32, #tpu.memory_space<hbm>>
      tpu.enqueue_indirect_dma source(%dma_start3A_55 : memref<20000x128xf32, #tpu.memory_space<hbm>>) target(%arg10 : memref<96x128xf32, #tpu.memory_space<vmem>>) offsets(%dma_start3A_52 : memref<96xi32, #tpu.memory_space<vmem>>) semaphore(%arg17 : memref<!tpu.dma_semaphore, #tpu.memory_space<semaphore_mem>>)
      %dma_start3A_56 = arith.constant 96 : i32
      %dma_start3A_57 = tpu.memref_slice %arg7[%dma_start3A_56] : memref<20736xi32, #tpu.memory_space<vmem>> -> memref<96xi32, #tpu.memory_space<vmem>>
      %dma_start3A_58 = arith.constant 0 : i32
      %dma_start3A_59 = arith.constant 0 : i32
      %dma_start3A_60 = tpu.memref_slice %arg2[%dma_start3A_58, %dma_start3A_59] : memref<20000x128xf32, #tpu.memory_space<hbm>> -> memref<20000x128xf32, #tpu.memory_space<hbm>>
      tpu.enqueue_indirect_dma source(%dma_start3A_60 : memref<20000x128xf32, #tpu.memory_space<hbm>>) target(%arg11 : memref<96x128xf32, #tpu.memory_space<vmem>>) offsets(%dma_start3A_57 : memref<96xi32, #tpu.memory_space<vmem>>) semaphore(%arg18 : memref<!tpu.dma_semaphore, #tpu.memory_space<semaphore_mem>>)
    } else {
    }
    %add3A_28 = arith.constant 2 : i32
    %add3A_29 = arith.addi %mul3A_8, %add3A_28 : i32
    %lt3A_30 = arith.constant 6875 : i32
    %lt3A_31 = arith.cmpi slt, %add3A_29, %lt3A_30 : i32
    %and3A_32 = arith.constant true
    %and3A_33 = arith.andi %lt3A_31, %and3A_32 : i1
    %convert_element_type3A_34 = arith.extui %and3A_33 : i1 to i32
    %cond3A_35 = arith.constant 0 : i32
    %cond3A_36 = arith.cmpi ne, %convert_element_type3A_34, %cond3A_35 : i32
    scf.if %cond3A_36 {
      %dma_start3A = arith.constant 192 : i32
      %dma_start3A_52 = tpu.memref_slice %arg6[%dma_start3A] : memref<20736xi32, #tpu.memory_space<vmem>> -> memref<96xi32, #tpu.memory_space<vmem>>
      %dma_start3A_53 = arith.constant 0 : i32
      %dma_start3A_54 = arith.constant 0 : i32
      %dma_start3A_55 = tpu.memref_slice %arg2[%dma_start3A_53, %dma_start3A_54] : memref<20000x128xf32, #tpu.memory_space<hbm>> -> memref<20000x128xf32, #tpu.memory_space<hbm>>
      tpu.enqueue_indirect_dma source(%dma_start3A_55 : memref<20000x128xf32, #tpu.memory_space<hbm>>) target(%arg12 : memref<96x128xf32, #tpu.memory_space<vmem>>) offsets(%dma_start3A_52 : memref<96xi32, #tpu.memory_space<vmem>>) semaphore(%arg19 : memref<!tpu.dma_semaphore, #tpu.memory_space<semaphore_mem>>)
      %dma_start3A_56 = arith.constant 192 : i32
      %dma_start3A_57 = tpu.memref_slice %arg7[%dma_start3A_56] : memref<20736xi32, #tpu.memory_space<vmem>> -> memref<96xi32, #tpu.memory_space<vmem>>
      %dma_start3A_58 = arith.constant 0 : i32
      %dma_start3A_59 = arith.constant 0 : i32
      %dma_start3A_60 = tpu.memref_slice %arg2[%dma_start3A_58, %dma_start3A_59] : memref<20000x128xf32, #tpu.memory_space<hbm>> -> memref<20000x128xf32, #tpu.memory_space<hbm>>
      tpu.enqueue_indirect_dma source(%dma_start3A_60 : memref<20000x128xf32, #tpu.memory_space<hbm>>) target(%arg13 : memref<96x128xf32, #tpu.memory_space<vmem>>) offsets(%dma_start3A_57 : memref<96xi32, #tpu.memory_space<vmem>>) semaphore(%arg20 : memref<!tpu.dma_semaphore, #tpu.memory_space<semaphore_mem>>)
    } else {
    }
    %scan3A = arith.constant 0 : i32
    %scan3A_37 = arith.constant 72 : i32
    %scan3A_38 = arith.addi %scan3A, %scan3A_37 : i32
    %scan3A_39 = arith.constant 1 : i32
    scf.for %scan3A_52 = %scan3A to %scan3A_38 step %scan3A_39  : i32 {
      %mul3A_53 = arith.constant 1 : i32
      %mul3A_54 = arith.muli %scan3A_52, %mul3A_53 : i32
      %add3A_55 = arith.constant 0 : i32
      %add3A_56 = arith.addi %add3A_55, %mul3A_54 : i32
      %mul3A_57 = arith.constant 3 : i32
      %mul3A_58 = arith.muli %add3A_56, %mul3A_57 : i32
      %add3A_59 = arith.constant 0 : i32
      %add3A_60 = arith.addi %mul3A_58, %add3A_59 : i32
      %add3A_61 = arith.addi %mul3A_8, %add3A_60 : i32
      %lt3A_62 = arith.constant 6875 : i32
      %lt3A_63 = arith.cmpi slt, %add3A_61, %lt3A_62 : i32
      %convert_element_type3A_64 = arith.extui %lt3A_63 : i1 to i32
      %cond3A_65 = arith.constant 0 : i32
      %cond3A_66 = arith.cmpi ne, %convert_element_type3A_64, %cond3A_65 : i32
      scf.if %cond3A_66 {
        %mul3A_134 = arith.constant 96 : i32
        %mul3A_135 = arith.muli %add3A_60, %mul3A_134 : i32
        %dma_wait3A_136 = tpu.memref_slice %arg6[%mul3A_135] : memref<20736xi32, #tpu.memory_space<vmem>> -> memref<96xi32, #tpu.memory_space<vmem>>
        %dma_wait3A_137 = arith.constant 0 : i32
        %dma_wait3A_138 = arith.constant 0 : i32
        %dma_wait3A_139 = tpu.memref_slice %arg2[%dma_wait3A_137, %dma_wait3A_138] : memref<20000x128xf32, #tpu.memory_space<hbm>> -> memref<20000x128xf32, #tpu.memory_space<hbm>>
        tpu.wait_indirect_dma semaphore(%arg15 : memref<!tpu.dma_semaphore, #tpu.memory_space<semaphore_mem>>) src(%dma_wait3A_139 : memref<20000x128xf32, #tpu.memory_space<hbm>>) dst(%arg8 : memref<96x128xf32, #tpu.memory_space<vmem>>)
        %mul3A_140 = arith.constant 96 : i32
        %mul3A_141 = arith.muli %add3A_60, %mul3A_140 : i32
        %dma_wait3A_142 = tpu.memref_slice %arg7[%mul3A_141] : memref<20736xi32, #tpu.memory_space<vmem>> -> memref<96xi32, #tpu.memory_space<vmem>>
        %dma_wait3A_143 = arith.constant 0 : i32
        %dma_wait3A_144 = arith.constant 0 : i32
        %dma_wait3A_145 = tpu.memref_slice %arg2[%dma_wait3A_143, %dma_wait3A_144] : memref<20000x128xf32, #tpu.memory_space<hbm>> -> memref<20000x128xf32, #tpu.memory_space<hbm>>
        tpu.wait_indirect_dma semaphore(%arg16 : memref<!tpu.dma_semaphore, #tpu.memory_space<semaphore_mem>>) src(%dma_wait3A_145 : memref<20000x128xf32, #tpu.memory_space<hbm>>) dst(%arg9 : memref<96x128xf32, #tpu.memory_space<vmem>>)
      } else {
      }
      %add3A_67 = arith.addi %mul3A_8, %add3A_60 : i32
      %lt3A_68 = arith.constant 6875 : i32
      %lt3A_69 = arith.cmpi slt, %add3A_67, %lt3A_68 : i32
      %convert_element_type3A_70 = arith.extui %lt3A_69 : i1 to i32
      %cond3A_71 = arith.constant 0 : i32
      %cond3A_72 = arith.cmpi ne, %convert_element_type3A_70, %cond3A_71 : i32
      scf.if %cond3A_72 {
        %gt3A = arith.constant 0 : i32
        %gt3A_134 = arith.cmpi sgt, %add3A_60, %gt3A : i32
        %convert_element_type3A_135 = arith.extui %gt3A_134 : i1 to i32
        %cond3A_136 = arith.constant 0 : i32
        %cond3A_137 = arith.cmpi ne, %convert_element_type3A_135, %cond3A_136 : i32
        scf.if %cond3A_137 {
          %sub3A_149 = arith.constant 1 : i32
          %sub3A_150 = arith.subi %add3A_60, %sub3A_149 : i32
          %add3A_151 = arith.addi %mul3A_8, %sub3A_150 : i32
          %mul3A_152 = arith.constant 96 : i32
          %mul3A_153 = arith.muli %add3A_151, %mul3A_152 : i32
          %dma_wait3A_154 = arith.constant 0 : i32
          %dma_wait3A_155 = tpu.memref_slice %arg5[%mul3A_153, %dma_wait3A_154] : memref<660000x128xf32, #tpu.memory_space<hbm>> -> memref<96x128xf32, #tpu.memory_space<hbm>>
          %dma_wait3A_156 = arith.constant 0 : i32
          %dma_wait3A_157 = tpu.memref_slice %arg5[%mul3A_153, %dma_wait3A_156] : memref<660000x128xf32, #tpu.memory_space<hbm>> -> memref<96x128xf32, #tpu.memory_space<hbm>>
          tpu.wait_dma2 semaphore(%arg21 : memref<!tpu.dma_semaphore, #tpu.memory_space<semaphore_mem>>) src(%arg14 : memref<96x128xf32, #tpu.memory_space<vmem>>) dst(%dma_wait3A_157 : memref<96x128xf32, #tpu.memory_space<hbm>>)
        } else {
        }
        %scan3A_138 = arith.constant 0 : i32
        %scan3A_139 = arith.constant 96 : i32
        %scan3A_140 = arith.addi %scan3A_138, %scan3A_139 : i32
        %scan3A_141 = arith.constant 1 : i32
        scf.for %scan3A_149 = %scan3A_138 to %scan3A_140 step %scan3A_141  : i32 {
          %mul3A_150 = arith.constant 1 : i32
          %mul3A_151 = arith.muli %scan3A_149, %mul3A_150 : i32
          %add3A_152 = arith.constant 0 : i32
          %add3A_153 = arith.addi %add3A_152, %mul3A_151 : i32
          %get3A = arith.index_cast %add3A_153 : i32 to index
          %get3A_154 = arith.constant 0 : index
          %get3A_155 = tpu.vector_load %arg8[%get3A, %get3A_154] {strides = array<i32>} : memref<96x128xf32, #tpu.memory_space<vmem>>, vector<1x16xf32>,
          %get3A_156 = vector.shape_cast %get3A_155 : vector<1x16xf32> to vector<16xf32>
          %get3A_157 = arith.index_cast %add3A_153 : i32 to index
          %get3A_158 = arith.constant 0 : index
          %get3A_159 = tpu.vector_load %arg9[%get3A_157, %get3A_158] {strides = array<i32>} : memref<96x128xf32, #tpu.memory_space<vmem>>, vector<1x16xf32>,
          %get3A_160 = vector.shape_cast %get3A_159 : vector<1x16xf32> to vector<16xf32>
          %add3A_161 = arith.addf %get3A_156, %get3A_160 : vector<16xf32>
          %mul3A_162 = arith.mulf %broadcast_in_dim3A_1, %add3A_161 : vector<16xf32>
          %swap3A = arith.index_cast %add3A_153 : i32 to index
          %swap3A_163 = arith.constant 0 : index
          %swap3A_164 = tpu.vector_load %arg14[%swap3A, %swap3A_163] {strides = array<i32>} : memref<96x128xf32, #tpu.memory_space<vmem>>, vector<1x16xf32>,
          %swap3A_165 = vector.shape_cast %swap3A_164 : vector<1x16xf32> to vector<16xf32>
          %swap3A_166 = vector.shape_cast %mul3A_162 : vector<16xf32> to vector<1x16xf32>
          tpu.vector_store %arg14[%swap3A, %swap3A_163], %swap3A_166 {strides = array<i32>} : memref<96x128xf32, #tpu.memory_space<vmem>>, vector<1x16xf32>,
          %get3A_167 = arith.index_cast %add3A_153 : i32 to index
          %get3A_168 = arith.constant 16 : index
          %get3A_169 = tpu.vector_load %arg8[%get3A_167, %get3A_168] {strides = array<i32>} : memref<96x128xf32, #tpu.memory_space<vmem>>, vector<1x16xf32>,
          %get3A_170 = vector.shape_cast %get3A_169 : vector<1x16xf32> to vector<16xf32>
          %get3A_171 = arith.index_cast %add3A_153 : i32 to index
          %get3A_172 = arith.constant 16 : index
          %get3A_173 = tpu.vector_load %arg9[%get3A_171, %get3A_172] {strides = array<i32>} : memref<96x128xf32, #tpu.memory_space<vmem>>, vector<1x16xf32>,
          %get3A_174 = vector.shape_cast %get3A_173 : vector<1x16xf32> to vector<16xf32>
          %add3A_175 = arith.addf %get3A_170, %get3A_174 : vector<16xf32>
          %mul3A_176 = arith.mulf %broadcast_in_dim3A_1, %add3A_175 : vector<16xf32>
          %swap3A_177 = arith.index_cast %add3A_153 : i32 to index
          %swap3A_178 = arith.constant 16 : index
          %swap3A_179 = tpu.vector_load %arg14[%swap3A_177, %swap3A_178] {strides = array<i32>} : memref<96x128xf32, #tpu.memory_space<vmem>>, vector<1x16xf32>,
          %swap3A_180 = vector.shape_cast %swap3A_179 : vector<1x16xf32> to vector<16xf32>
          %swap3A_181 = vector.shape_cast %mul3A_176 : vector<16xf32> to vector<1x16xf32>
          tpu.vector_store %arg14[%swap3A_177, %swap3A_178], %swap3A_181 {strides = array<i32>} : memref<96x128xf32, #tpu.memory_space<vmem>>, vector<1x16xf32>,
          %get3A_182 = arith.index_cast %add3A_153 : i32 to index
          %get3A_183 = arith.constant 32 : index
          %get3A_184 = tpu.vector_load %arg8[%get3A_182, %get3A_183] {strides = array<i32>} : memref<96x128xf32, #tpu.memory_space<vmem>>, vector<1x16xf32>,
          %get3A_185 = vector.shape_cast %get3A_184 : vector<1x16xf32> to vector<16xf32>
          %get3A_186 = arith.index_cast %add3A_153 : i32 to index
          %get3A_187 = arith.constant 32 : index
          %get3A_188 = tpu.vector_load %arg9[%get3A_186, %get3A_187] {strides = array<i32>} : memref<96x128xf32, #tpu.memory_space<vmem>>, vector<1x16xf32>,
          %get3A_189 = vector.shape_cast %get3A_188 : vector<1x16xf32> to vector<16xf32>
          %add3A_190 = arith.addf %get3A_185, %get3A_189 : vector<16xf32>
          %mul3A_191 = arith.mulf %broadcast_in_dim3A_1, %add3A_190 : vector<16xf32>
          %swap3A_192 = arith.index_cast %add3A_153 : i32 to index
          %swap3A_193 = arith.constant 32 : index
          %swap3A_194 = tpu.vector_load %arg14[%swap3A_192, %swap3A_193] {strides = array<i32>} : memref<96x128xf32, #tpu.memory_space<vmem>>, vector<1x16xf32>,
          %swap3A_195 = vector.shape_cast %swap3A_194 : vector<1x16xf32> to vector<16xf32>
          %swap3A_196 = vector.shape_cast %mul3A_191 : vector<16xf32> to vector<1x16xf32>
          tpu.vector_store %arg14[%swap3A_192, %swap3A_193], %swap3A_196 {strides = array<i32>} : memref<96x128xf32, #tpu.memory_space<vmem>>, vector<1x16xf32>,
          %get3A_197 = arith.index_cast %add3A_153 : i32 to index
          %get3A_198 = arith.constant 48 : index
          %get3A_199 = tpu.vector_load %arg8[%get3A_197, %get3A_198] {strides = array<i32>} : memref<96x128xf32, #tpu.memory_space<vmem>>, vector<1x16xf32>,
          %get3A_200 = vector.shape_cast %get3A_199 : vector<1x16xf32> to vector<16xf32>
          %get3A_201 = arith.index_cast %add3A_153 : i32 to index
          %get3A_202 = arith.constant 48 : index
          %get3A_203 = tpu.vector_load %arg9[%get3A_201, %get3A_202] {strides = array<i32>} : memref<96x128xf32, #tpu.memory_space<vmem>>, vector<1x16xf32>,
          %get3A_204 = vector.shape_cast %get3A_203 : vector<1x16xf32> to vector<16xf32>
          %add3A_205 = arith.addf %get3A_200, %get3A_204 : vector<16xf32>
          %mul3A_206 = arith.mulf %broadcast_in_dim3A_1, %add3A_205 : vector<16xf32>
          %swap3A_207 = arith.index_cast %add3A_153 : i32 to index
          %swap3A_208 = arith.constant 48 : index
          %swap3A_209 = tpu.vector_load %arg14[%swap3A_207, %swap3A_208] {strides = array<i32>} : memref<96x128xf32, #tpu.memory_space<vmem>>, vector<1x16xf32>,
          %swap3A_210 = vector.shape_cast %swap3A_209 : vector<1x16xf32> to vector<16xf32>
          %swap3A_211 = vector.shape_cast %mul3A_206 : vector<16xf32> to vector<1x16xf32>
          tpu.vector_store %arg14[%swap3A_207, %swap3A_208], %swap3A_211 {strides = array<i32>} : memref<96x128xf32, #tpu.memory_space<vmem>>, vector<1x16xf32>,
          %get3A_212 = arith.index_cast %add3A_153 : i32 to index
          %get3A_213 = arith.constant 64 : index
          %get3A_214 = tpu.vector_load %arg8[%get3A_212, %get3A_213] {strides = array<i32>} : memref<96x128xf32, #tpu.memory_space<vmem>>, vector<1x16xf32>,
          %get3A_215 = vector.shape_cast %get3A_214 : vector<1x16xf32> to vector<16xf32>
          %get3A_216 = arith.index_cast %add3A_153 : i32 to index
          %get3A_217 = arith.constant 64 : index
          %get3A_218 = tpu.vector_load %arg9[%get3A_216, %get3A_217] {strides = array<i32>} : memref<96x128xf32, #tpu.memory_space<vmem>>, vector<1x16xf32>,
          %get3A_219 = vector.shape_cast %get3A_218 : vector<1x16xf32> to vector<16xf32>
          %add3A_220 = arith.addf %get3A_215, %get3A_219 : vector<16xf32>
          %mul3A_221 = arith.mulf %broadcast_in_dim3A_1, %add3A_220 : vector<16xf32>
          %swap3A_222 = arith.index_cast %add3A_153 : i32 to index
          %swap3A_223 = arith.constant 64 : index
          %swap3A_224 = tpu.vector_load %arg14[%swap3A_222, %swap3A_223] {strides = array<i32>} : memref<96x128xf32, #tpu.memory_space<vmem>>, vector<1x16xf32>,
          %swap3A_225 = vector.shape_cast %swap3A_224 : vector<1x16xf32> to vector<16xf32>
          %swap3A_226 = vector.shape_cast %mul3A_221 : vector<16xf32> to vector<1x16xf32>
          tpu.vector_store %arg14[%swap3A_222, %swap3A_223], %swap3A_226 {strides = array<i32>} : memref<96x128xf32, #tpu.memory_space<vmem>>, vector<1x16xf32>,
          %get3A_227 = arith.index_cast %add3A_153 : i32 to index
          %get3A_228 = arith.constant 80 : index
          %get3A_229 = tpu.vector_load %arg8[%get3A_227, %get3A_228] {strides = array<i32>} : memref<96x128xf32, #tpu.memory_space<vmem>>, vector<1x16xf32>,
          %get3A_230 = vector.shape_cast %get3A_229 : vector<1x16xf32> to vector<16xf32>
          %get3A_231 = arith.index_cast %add3A_153 : i32 to index
          %get3A_232 = arith.constant 80 : index
          %get3A_233 = tpu.vector_load %arg9[%get3A_231, %get3A_232] {strides = array<i32>} : memref<96x128xf32, #tpu.memory_space<vmem>>, vector<1x16xf32>,
          %get3A_234 = vector.shape_cast %get3A_233 : vector<1x16xf32> to vector<16xf32>
          %add3A_235 = arith.addf %get3A_230, %get3A_234 : vector<16xf32>
          %mul3A_236 = arith.mulf %broadcast_in_dim3A_1, %add3A_235 : vector<16xf32>
          %swap3A_237 = arith.index_cast %add3A_153 : i32 to index
          %swap3A_238 = arith.constant 80 : index
          %swap3A_239 = tpu.vector_load %arg14[%swap3A_237, %swap3A_238] {strides = array<i32>} : memref<96x128xf32, #tpu.memory_space<vmem>>, vector<1x16xf32>,
          %swap3A_240 = vector.shape_cast %swap3A_239 : vector<1x16xf32> to vector<16xf32>
          %swap3A_241 = vector.shape_cast %mul3A_236 : vector<16xf32> to vector<1x16xf32>
          tpu.vector_store %arg14[%swap3A_237, %swap3A_238], %swap3A_241 {strides = array<i32>} : memref<96x128xf32, #tpu.memory_space<vmem>>, vector<1x16xf32>,
          %get3A_242 = arith.index_cast %add3A_153 : i32 to index
          %get3A_243 = arith.constant 96 : index
          %get3A_244 = tpu.vector_load %arg8[%get3A_242, %get3A_243] {strides = array<i32>} : memref<96x128xf32, #tpu.memory_space<vmem>>, vector<1x16xf32>,
          %get3A_245 = vector.shape_cast %get3A_244 : vector<1x16xf32> to vector<16xf32>
          %get3A_246 = arith.index_cast %add3A_153 : i32 to index
          %get3A_247 = arith.constant 96 : index
          %get3A_248 = tpu.vector_load %arg9[%get3A_246, %get3A_247] {strides = array<i32>} : memref<96x128xf32, #tpu.memory_space<vmem>>, vector<1x16xf32>,
          %get3A_249 = vector.shape_cast %get3A_248 : vector<1x16xf32> to vector<16xf32>
          %add3A_250 = arith.addf %get3A_245, %get3A_249 : vector<16xf32>
          %mul3A_251 = arith.mulf %broadcast_in_dim3A_1, %add3A_250 : vector<16xf32>
          %swap3A_252 = arith.index_cast %add3A_153 : i32 to index
          %swap3A_253 = arith.constant 96 : index
          %swap3A_254 = tpu.vector_load %arg14[%swap3A_252, %swap3A_253] {strides = array<i32>} : memref<96x128xf32, #tpu.memory_space<vmem>>, vector<1x16xf32>,
          %swap3A_255 = vector.shape_cast %swap3A_254 : vector<1x16xf32> to vector<16xf32>
          %swap3A_256 = vector.shape_cast %mul3A_251 : vector<16xf32> to vector<1x16xf32>
          tpu.vector_store %arg14[%swap3A_252, %swap3A_253], %swap3A_256 {strides = array<i32>} : memref<96x128xf32, #tpu.memory_space<vmem>>, vector<1x16xf32>,
          %get3A_257 = arith.index_cast %add3A_153 : i32 to index
          %get3A_258 = arith.constant 112 : index
          %get3A_259 = tpu.vector_load %arg8[%get3A_257, %get3A_258] {strides = array<i32>} : memref<96x128xf32, #tpu.memory_space<vmem>>, vector<1x16xf32>,
          %get3A_260 = vector.shape_cast %get3A_259 : vector<1x16xf32> to vector<16xf32>
          %get3A_261 = arith.index_cast %add3A_153 : i32 to index
          %get3A_262 = arith.constant 112 : index
          %get3A_263 = tpu.vector_load %arg9[%get3A_261, %get3A_262] {strides = array<i32>} : memref<96x128xf32, #tpu.memory_space<vmem>>, vector<1x16xf32>,
          %get3A_264 = vector.shape_cast %get3A_263 : vector<1x16xf32> to vector<16xf32>
          %add3A_265 = arith.addf %get3A_260, %get3A_264 : vector<16xf32>
          %mul3A_266 = arith.mulf %broadcast_in_dim3A_1, %add3A_265 : vector<16xf32>
          %swap3A_267 = arith.index_cast %add3A_153 : i32 to index
          %swap3A_268 = arith.constant 112 : index
          %swap3A_269 = tpu.vector_load %arg14[%swap3A_267, %swap3A_268] {strides = array<i32>} : memref<96x128xf32, #tpu.memory_space<vmem>>, vector<1x16xf32>,
          %swap3A_270 = vector.shape_cast %swap3A_269 : vector<1x16xf32> to vector<16xf32>
          %swap3A_271 = vector.shape_cast %mul3A_266 : vector<16xf32> to vector<1x16xf32>
          tpu.vector_store %arg14[%swap3A_267, %swap3A_268], %swap3A_271 {strides = array<i32>} : memref<96x128xf32, #tpu.memory_space<vmem>>, vector<1x16xf32>,
        }
        %scan3A_142 = arith.constant 96 : i32
        %add3A_143 = arith.addi %mul3A_8, %add3A_60 : i32
        %mul3A_144 = arith.constant 96 : i32
        %mul3A_145 = arith.muli %add3A_143, %mul3A_144 : i32
        %dma_start3A = arith.constant 0 : i32
        %dma_start3A_146 = tpu.memref_slice %arg5[%mul3A_145, %dma_start3A] : memref<660000x128xf32, #tpu.memory_space<hbm>> -> memref<96x128xf32, #tpu.memory_space<hbm>>
        %dma_start3A_147 = arith.constant 0 : i32
        %dma_start3A_148 = tpu.memref_slice %arg5[%mul3A_145, %dma_start3A_147] : memref<660000x128xf32, #tpu.memory_space<hbm>> -> memref<96x128xf32, #tpu.memory_space<hbm>>
        tpu.enqueue_dma source(%arg14 : memref<96x128xf32, #tpu.memory_space<vmem>>) target(%dma_start3A_148 : memref<96x128xf32, #tpu.memory_space<hbm>>) target_semaphore(%arg21 : memref<!tpu.dma_semaphore, #tpu.memory_space<semaphore_mem>>)
      } else {
      }
      %add3A_73 = arith.constant 3 : i32
      %add3A_74 = arith.addi %add3A_60, %add3A_73 : i32
      %add3A_75 = arith.addi %mul3A_8, %add3A_74 : i32
      %lt3A_76 = arith.constant 6875 : i32
      %lt3A_77 = arith.cmpi slt, %add3A_75, %lt3A_76 : i32
      %lt3A_78 = arith.constant 216 : i32
      %lt3A_79 = arith.cmpi slt, %add3A_74, %lt3A_78 : i32
      %and3A_80 = arith.andi %lt3A_77, %lt3A_79 : i1
      %convert_element_type3A_81 = arith.extui %and3A_80 : i1 to i32
      %cond3A_82 = arith.constant 0 : i32
      %cond3A_83 = arith.cmpi ne, %convert_element_type3A_81, %cond3A_82 : i32
      scf.if %cond3A_83 {
        %mul3A_134 = arith.constant 96 : i32
        %mul3A_135 = arith.muli %add3A_74, %mul3A_134 : i32
        %dma_start3A = tpu.memref_slice %arg6[%mul3A_135] : memref<20736xi32, #tpu.memory_space<vmem>> -> memref<96xi32, #tpu.memory_space<vmem>>
        %dma_start3A_136 = arith.constant 0 : i32
        %dma_start3A_137 = arith.constant 0 : i32
        %dma_start3A_138 = tpu.memref_slice %arg2[%dma_start3A_136, %dma_start3A_137] : memref<20000x128xf32, #tpu.memory_space<hbm>> -> memref<20000x128xf32, #tpu.memory_space<hbm>>
        tpu.enqueue_indirect_dma source(%dma_start3A_138 : memref<20000x128xf32, #tpu.memory_space<hbm>>) target(%arg8 : memref<96x128xf32, #tpu.memory_space<vmem>>) offsets(%dma_start3A : memref<96xi32, #tpu.memory_space<vmem>>) semaphore(%arg15 : memref<!tpu.dma_semaphore, #tpu.memory_space<semaphore_mem>>)
        %mul3A_139 = arith.constant 96 : i32
        %mul3A_140 = arith.muli %add3A_74, %mul3A_139 : i32
        %dma_start3A_141 = tpu.memref_slice %arg7[%mul3A_140] : memref<20736xi32, #tpu.memory_space<vmem>> -> memref<96xi32, #tpu.memory_space<vmem>>
        %dma_start3A_142 = arith.constant 0 : i32
        %dma_start3A_143 = arith.constant 0 : i32
        %dma_start3A_144 = tpu.memref_slice %arg2[%dma_start3A_142, %dma_start3A_143] : memref<20000x128xf32, #tpu.memory_space<hbm>> -> memref<20000x128xf32, #tpu.memory_space<hbm>>
        tpu.enqueue_indirect_dma source(%dma_start3A_144 : memref<20000x128xf32, #tpu.memory_space<hbm>>) target(%arg9 : memref<96x128xf32, #tpu.memory_space<vmem>>) offsets(%dma_start3A_141 : memref<96xi32, #tpu.memory_space<vmem>>) semaphore(%arg16 : memref<!tpu.dma_semaphore, #tpu.memory_space<semaphore_mem>>)
      } else {
      }
      %add3A_84 = arith.constant 1 : i32
      %add3A_85 = arith.addi %mul3A_58, %add3A_84 : i32
      %add3A_86 = arith.addi %mul3A_8, %add3A_85 : i32
      %lt3A_87 = arith.constant 6875 : i32
      %lt3A_88 = arith.cmpi slt, %add3A_86, %lt3A_87 : i32
      %convert_element_type3A_89 = arith.extui %lt3A_88 : i1 to i32
      %cond3A_90 = arith.constant 0 : i32
      %cond3A_91 = arith.cmpi ne, %convert_element_type3A_89, %cond3A_90 : i32
      scf.if %cond3A_91 {
        %mul3A_134 = arith.constant 96 : i32
        %mul3A_135 = arith.muli %add3A_85, %mul3A_134 : i32
        %dma_wait3A_136 = tpu.memref_slice %arg6[%mul3A_135] : memref<20736xi32, #tpu.memory_space<vmem>> -> memref<96xi32, #tpu.memory_space<vmem>>
        %dma_wait3A_137 = arith.constant 0 : i32
        %dma_wait3A_138 = arith.constant 0 : i32
        %dma_wait3A_139 = tpu.memref_slice %arg2[%dma_wait3A_137, %dma_wait3A_138] : memref<20000x128xf32, #tpu.memory_space<hbm>> -> memref<20000x128xf32, #tpu.memory_space<hbm>>
        tpu.wait_indirect_dma semaphore(%arg17 : memref<!tpu.dma_semaphore, #tpu.memory_space<semaphore_mem>>) src(%dma_wait3A_139 : memref<20000x128xf32, #tpu.memory_space<hbm>>) dst(%arg10 : memref<96x128xf32, #tpu.memory_space<vmem>>)
        %mul3A_140 = arith.constant 96 : i32
        %mul3A_141 = arith.muli %add3A_85, %mul3A_140 : i32
        %dma_wait3A_142 = tpu.memref_slice %arg7[%mul3A_141] : memref<20736xi32, #tpu.memory_space<vmem>> -> memref<96xi32, #tpu.memory_space<vmem>>
        %dma_wait3A_143 = arith.constant 0 : i32
        %dma_wait3A_144 = arith.constant 0 : i32
        %dma_wait3A_145 = tpu.memref_slice %arg2[%dma_wait3A_143, %dma_wait3A_144] : memref<20000x128xf32, #tpu.memory_space<hbm>> -> memref<20000x128xf32, #tpu.memory_space<hbm>>
        tpu.wait_indirect_dma semaphore(%arg18 : memref<!tpu.dma_semaphore, #tpu.memory_space<semaphore_mem>>) src(%dma_wait3A_145 : memref<20000x128xf32, #tpu.memory_space<hbm>>) dst(%arg11 : memref<96x128xf32, #tpu.memory_space<vmem>>)
      } else {
      }
      %add3A_92 = arith.addi %mul3A_8, %add3A_85 : i32
      %lt3A_93 = arith.constant 6875 : i32
      %lt3A_94 = arith.cmpi slt, %add3A_92, %lt3A_93 : i32
      %convert_element_type3A_95 = arith.extui %lt3A_94 : i1 to i32
      %cond3A_96 = arith.constant 0 : i32
      %cond3A_97 = arith.cmpi ne, %convert_element_type3A_95, %cond3A_96 : i32
      scf.if %cond3A_97 {
        %gt3A = arith.constant 0 : i32
        %gt3A_134 = arith.cmpi sgt, %add3A_85, %gt3A : i32
        %convert_element_type3A_135 = arith.extui %gt3A_134 : i1 to i32
        %cond3A_136 = arith.constant 0 : i32
        %cond3A_137 = arith.cmpi ne, %convert_element_type3A_135, %cond3A_136 : i32
        scf.if %cond3A_137 {
          %sub3A_149 = arith.constant 1 : i32
          %sub3A_150 = arith.subi %add3A_85, %sub3A_149 : i32
          %add3A_151 = arith.addi %mul3A_8, %sub3A_150 : i32
          %mul3A_152 = arith.constant 96 : i32
          %mul3A_153 = arith.muli %add3A_151, %mul3A_152 : i32
          %dma_wait3A_154 = arith.constant 0 : i32
          %dma_wait3A_155 = tpu.memref_slice %arg5[%mul3A_153, %dma_wait3A_154] : memref<660000x128xf32, #tpu.memory_space<hbm>> -> memref<96x128xf32, #tpu.memory_space<hbm>>
          %dma_wait3A_156 = arith.constant 0 : i32
          %dma_wait3A_157 = tpu.memref_slice %arg5[%mul3A_153, %dma_wait3A_156] : memref<660000x128xf32, #tpu.memory_space<hbm>> -> memref<96x128xf32, #tpu.memory_space<hbm>>
          tpu.wait_dma2 semaphore(%arg21 : memref<!tpu.dma_semaphore, #tpu.memory_space<semaphore_mem>>) src(%arg14 : memref<96x128xf32, #tpu.memory_space<vmem>>) dst(%dma_wait3A_157 : memref<96x128xf32, #tpu.memory_space<hbm>>)
        } else {
        }
        %scan3A_138 = arith.constant 0 : i32
        %scan3A_139 = arith.constant 96 : i32
        %scan3A_140 = arith.addi %scan3A_138, %scan3A_139 : i32
        %scan3A_141 = arith.constant 1 : i32
        scf.for %scan3A_149 = %scan3A_138 to %scan3A_140 step %scan3A_141  : i32 {
          %mul3A_150 = arith.constant 1 : i32
          %mul3A_151 = arith.muli %scan3A_149, %mul3A_150 : i32
          %add3A_152 = arith.constant 0 : i32
          %add3A_153 = arith.addi %add3A_152, %mul3A_151 : i32
          %get3A = arith.index_cast %add3A_153 : i32 to index
          %get3A_154 = arith.constant 0 : index
          %get3A_155 = tpu.vector_load %arg10[%get3A, %get3A_154] {strides = array<i32>} : memref<96x128xf32, #tpu.memory_space<vmem>>, vector<1x16xf32>,
          %get3A_156 = vector.shape_cast %get3A_155 : vector<1x16xf32> to vector<16xf32>
          %get3A_157 = arith.index_cast %add3A_153 : i32 to index
          %get3A_158 = arith.constant 0 : index
          %get3A_159 = tpu.vector_load %arg11[%get3A_157, %get3A_158] {strides = array<i32>} : memref<96x128xf32, #tpu.memory_space<vmem>>, vector<1x16xf32>,
          %get3A_160 = vector.shape_cast %get3A_159 : vector<1x16xf32> to vector<16xf32>
          %add3A_161 = arith.addf %get3A_156, %get3A_160 : vector<16xf32>
          %mul3A_162 = arith.mulf %broadcast_in_dim3A_1, %add3A_161 : vector<16xf32>
          %swap3A = arith.index_cast %add3A_153 : i32 to index
          %swap3A_163 = arith.constant 0 : index
          %swap3A_164 = tpu.vector_load %arg14[%swap3A, %swap3A_163] {strides = array<i32>} : memref<96x128xf32, #tpu.memory_space<vmem>>, vector<1x16xf32>,
          %swap3A_165 = vector.shape_cast %swap3A_164 : vector<1x16xf32> to vector<16xf32>
          %swap3A_166 = vector.shape_cast %mul3A_162 : vector<16xf32> to vector<1x16xf32>
          tpu.vector_store %arg14[%swap3A, %swap3A_163], %swap3A_166 {strides = array<i32>} : memref<96x128xf32, #tpu.memory_space<vmem>>, vector<1x16xf32>,
          %get3A_167 = arith.index_cast %add3A_153 : i32 to index
          %get3A_168 = arith.constant 16 : index
          %get3A_169 = tpu.vector_load %arg10[%get3A_167, %get3A_168] {strides = array<i32>} : memref<96x128xf32, #tpu.memory_space<vmem>>, vector<1x16xf32>,
          %get3A_170 = vector.shape_cast %get3A_169 : vector<1x16xf32> to vector<16xf32>
          %get3A_171 = arith.index_cast %add3A_153 : i32 to index
          %get3A_172 = arith.constant 16 : index
          %get3A_173 = tpu.vector_load %arg11[%get3A_171, %get3A_172] {strides = array<i32>} : memref<96x128xf32, #tpu.memory_space<vmem>>, vector<1x16xf32>,
          %get3A_174 = vector.shape_cast %get3A_173 : vector<1x16xf32> to vector<16xf32>
          %add3A_175 = arith.addf %get3A_170, %get3A_174 : vector<16xf32>
          %mul3A_176 = arith.mulf %broadcast_in_dim3A_1, %add3A_175 : vector<16xf32>
          %swap3A_177 = arith.index_cast %add3A_153 : i32 to index
          %swap3A_178 = arith.constant 16 : index
          %swap3A_179 = tpu.vector_load %arg14[%swap3A_177, %swap3A_178] {strides = array<i32>} : memref<96x128xf32, #tpu.memory_space<vmem>>, vector<1x16xf32>,
          %swap3A_180 = vector.shape_cast %swap3A_179 : vector<1x16xf32> to vector<16xf32>
          %swap3A_181 = vector.shape_cast %mul3A_176 : vector<16xf32> to vector<1x16xf32>
          tpu.vector_store %arg14[%swap3A_177, %swap3A_178], %swap3A_181 {strides = array<i32>} : memref<96x128xf32, #tpu.memory_space<vmem>>, vector<1x16xf32>,
          %get3A_182 = arith.index_cast %add3A_153 : i32 to index
          %get3A_183 = arith.constant 32 : index
          %get3A_184 = tpu.vector_load %arg10[%get3A_182, %get3A_183] {strides = array<i32>} : memref<96x128xf32, #tpu.memory_space<vmem>>, vector<1x16xf32>,
          %get3A_185 = vector.shape_cast %get3A_184 : vector<1x16xf32> to vector<16xf32>
          %get3A_186 = arith.index_cast %add3A_153 : i32 to index
          %get3A_187 = arith.constant 32 : index
          %get3A_188 = tpu.vector_load %arg11[%get3A_186, %get3A_187] {strides = array<i32>} : memref<96x128xf32, #tpu.memory_space<vmem>>, vector<1x16xf32>,
          %get3A_189 = vector.shape_cast %get3A_188 : vector<1x16xf32> to vector<16xf32>
          %add3A_190 = arith.addf %get3A_185, %get3A_189 : vector<16xf32>
          %mul3A_191 = arith.mulf %broadcast_in_dim3A_1, %add3A_190 : vector<16xf32>
          %swap3A_192 = arith.index_cast %add3A_153 : i32 to index
          %swap3A_193 = arith.constant 32 : index
          %swap3A_194 = tpu.vector_load %arg14[%swap3A_192, %swap3A_193] {strides = array<i32>} : memref<96x128xf32, #tpu.memory_space<vmem>>, vector<1x16xf32>,
          %swap3A_195 = vector.shape_cast %swap3A_194 : vector<1x16xf32> to vector<16xf32>
          %swap3A_196 = vector.shape_cast %mul3A_191 : vector<16xf32> to vector<1x16xf32>
          tpu.vector_store %arg14[%swap3A_192, %swap3A_193], %swap3A_196 {strides = array<i32>} : memref<96x128xf32, #tpu.memory_space<vmem>>, vector<1x16xf32>,
          %get3A_197 = arith.index_cast %add3A_153 : i32 to index
          %get3A_198 = arith.constant 48 : index
          %get3A_199 = tpu.vector_load %arg10[%get3A_197, %get3A_198] {strides = array<i32>} : memref<96x128xf32, #tpu.memory_space<vmem>>, vector<1x16xf32>,
          %get3A_200 = vector.shape_cast %get3A_199 : vector<1x16xf32> to vector<16xf32>
          %get3A_201 = arith.index_cast %add3A_153 : i32 to index
          %get3A_202 = arith.constant 48 : index
          %get3A_203 = tpu.vector_load %arg11[%get3A_201, %get3A_202] {strides = array<i32>} : memref<96x128xf32, #tpu.memory_space<vmem>>, vector<1x16xf32>,
          %get3A_204 = vector.shape_cast %get3A_203 : vector<1x16xf32> to vector<16xf32>
          %add3A_205 = arith.addf %get3A_200, %get3A_204 : vector<16xf32>
          %mul3A_206 = arith.mulf %broadcast_in_dim3A_1, %add3A_205 : vector<16xf32>
          %swap3A_207 = arith.index_cast %add3A_153 : i32 to index
          %swap3A_208 = arith.constant 48 : index
          %swap3A_209 = tpu.vector_load %arg14[%swap3A_207, %swap3A_208] {strides = array<i32>} : memref<96x128xf32, #tpu.memory_space<vmem>>, vector<1x16xf32>,
          %swap3A_210 = vector.shape_cast %swap3A_209 : vector<1x16xf32> to vector<16xf32>
          %swap3A_211 = vector.shape_cast %mul3A_206 : vector<16xf32> to vector<1x16xf32>
          tpu.vector_store %arg14[%swap3A_207, %swap3A_208], %swap3A_211 {strides = array<i32>} : memref<96x128xf32, #tpu.memory_space<vmem>>, vector<1x16xf32>,
          %get3A_212 = arith.index_cast %add3A_153 : i32 to index
          %get3A_213 = arith.constant 64 : index
          %get3A_214 = tpu.vector_load %arg10[%get3A_212, %get3A_213] {strides = array<i32>} : memref<96x128xf32, #tpu.memory_space<vmem>>, vector<1x16xf32>,
          %get3A_215 = vector.shape_cast %get3A_214 : vector<1x16xf32> to vector<16xf32>
          %get3A_216 = arith.index_cast %add3A_153 : i32 to index
          %get3A_217 = arith.constant 64 : index
          %get3A_218 = tpu.vector_load %arg11[%get3A_216, %get3A_217] {strides = array<i32>} : memref<96x128xf32, #tpu.memory_space<vmem>>, vector<1x16xf32>,
          %get3A_219 = vector.shape_cast %get3A_218 : vector<1x16xf32> to vector<16xf32>
          %add3A_220 = arith.addf %get3A_215, %get3A_219 : vector<16xf32>
          %mul3A_221 = arith.mulf %broadcast_in_dim3A_1, %add3A_220 : vector<16xf32>
          %swap3A_222 = arith.index_cast %add3A_153 : i32 to index
          %swap3A_223 = arith.constant 64 : index
          %swap3A_224 = tpu.vector_load %arg14[%swap3A_222, %swap3A_223] {strides = array<i32>} : memref<96x128xf32, #tpu.memory_space<vmem>>, vector<1x16xf32>,
          %swap3A_225 = vector.shape_cast %swap3A_224 : vector<1x16xf32> to vector<16xf32>
          %swap3A_226 = vector.shape_cast %mul3A_221 : vector<16xf32> to vector<1x16xf32>
          tpu.vector_store %arg14[%swap3A_222, %swap3A_223], %swap3A_226 {strides = array<i32>} : memref<96x128xf32, #tpu.memory_space<vmem>>, vector<1x16xf32>,
          %get3A_227 = arith.index_cast %add3A_153 : i32 to index
          %get3A_228 = arith.constant 80 : index
          %get3A_229 = tpu.vector_load %arg10[%get3A_227, %get3A_228] {strides = array<i32>} : memref<96x128xf32, #tpu.memory_space<vmem>>, vector<1x16xf32>,
          %get3A_230 = vector.shape_cast %get3A_229 : vector<1x16xf32> to vector<16xf32>
          %get3A_231 = arith.index_cast %add3A_153 : i32 to index
          %get3A_232 = arith.constant 80 : index
          %get3A_233 = tpu.vector_load %arg11[%get3A_231, %get3A_232] {strides = array<i32>} : memref<96x128xf32, #tpu.memory_space<vmem>>, vector<1x16xf32>,
          %get3A_234 = vector.shape_cast %get3A_233 : vector<1x16xf32> to vector<16xf32>
          %add3A_235 = arith.addf %get3A_230, %get3A_234 : vector<16xf32>
          %mul3A_236 = arith.mulf %broadcast_in_dim3A_1, %add3A_235 : vector<16xf32>
          %swap3A_237 = arith.index_cast %add3A_153 : i32 to index
          %swap3A_238 = arith.constant 80 : index
          %swap3A_239 = tpu.vector_load %arg14[%swap3A_237, %swap3A_238] {strides = array<i32>} : memref<96x128xf32, #tpu.memory_space<vmem>>, vector<1x16xf32>,
          %swap3A_240 = vector.shape_cast %swap3A_239 : vector<1x16xf32> to vector<16xf32>
          %swap3A_241 = vector.shape_cast %mul3A_236 : vector<16xf32> to vector<1x16xf32>
          tpu.vector_store %arg14[%swap3A_237, %swap3A_238], %swap3A_241 {strides = array<i32>} : memref<96x128xf32, #tpu.memory_space<vmem>>, vector<1x16xf32>,
          %get3A_242 = arith.index_cast %add3A_153 : i32 to index
          %get3A_243 = arith.constant 96 : index
          %get3A_244 = tpu.vector_load %arg10[%get3A_242, %get3A_243] {strides = array<i32>} : memref<96x128xf32, #tpu.memory_space<vmem>>, vector<1x16xf32>,
          %get3A_245 = vector.shape_cast %get3A_244 : vector<1x16xf32> to vector<16xf32>
          %get3A_246 = arith.index_cast %add3A_153 : i32 to index
          %get3A_247 = arith.constant 96 : index
          %get3A_248 = tpu.vector_load %arg11[%get3A_246, %get3A_247] {strides = array<i32>} : memref<96x128xf32, #tpu.memory_space<vmem>>, vector<1x16xf32>,
          %get3A_249 = vector.shape_cast %get3A_248 : vector<1x16xf32> to vector<16xf32>
          %add3A_250 = arith.addf %get3A_245, %get3A_249 : vector<16xf32>
          %mul3A_251 = arith.mulf %broadcast_in_dim3A_1, %add3A_250 : vector<16xf32>
          %swap3A_252 = arith.index_cast %add3A_153 : i32 to index
          %swap3A_253 = arith.constant 96 : index
          %swap3A_254 = tpu.vector_load %arg14[%swap3A_252, %swap3A_253] {strides = array<i32>} : memref<96x128xf32, #tpu.memory_space<vmem>>, vector<1x16xf32>,
          %swap3A_255 = vector.shape_cast %swap3A_254 : vector<1x16xf32> to vector<16xf32>
          %swap3A_256 = vector.shape_cast %mul3A_251 : vector<16xf32> to vector<1x16xf32>
          tpu.vector_store %arg14[%swap3A_252, %swap3A_253], %swap3A_256 {strides = array<i32>} : memref<96x128xf32, #tpu.memory_space<vmem>>, vector<1x16xf32>,
          %get3A_257 = arith.index_cast %add3A_153 : i32 to index
          %get3A_258 = arith.constant 112 : index
          %get3A_259 = tpu.vector_load %arg10[%get3A_257, %get3A_258] {strides = array<i32>} : memref<96x128xf32, #tpu.memory_space<vmem>>, vector<1x16xf32>,
          %get3A_260 = vector.shape_cast %get3A_259 : vector<1x16xf32> to vector<16xf32>
          %get3A_261 = arith.index_cast %add3A_153 : i32 to index
          %get3A_262 = arith.constant 112 : index
          %get3A_263 = tpu.vector_load %arg11[%get3A_261, %get3A_262] {strides = array<i32>} : memref<96x128xf32, #tpu.memory_space<vmem>>, vector<1x16xf32>,
          %get3A_264 = vector.shape_cast %get3A_263 : vector<1x16xf32> to vector<16xf32>
          %add3A_265 = arith.addf %get3A_260, %get3A_264 : vector<16xf32>
          %mul3A_266 = arith.mulf %broadcast_in_dim3A_1, %add3A_265 : vector<16xf32>
          %swap3A_267 = arith.index_cast %add3A_153 : i32 to index
          %swap3A_268 = arith.constant 112 : index
          %swap3A_269 = tpu.vector_load %arg14[%swap3A_267, %swap3A_268] {strides = array<i32>} : memref<96x128xf32, #tpu.memory_space<vmem>>, vector<1x16xf32>,
          %swap3A_270 = vector.shape_cast %swap3A_269 : vector<1x16xf32> to vector<16xf32>
          %swap3A_271 = vector.shape_cast %mul3A_266 : vector<16xf32> to vector<1x16xf32>
          tpu.vector_store %arg14[%swap3A_267, %swap3A_268], %swap3A_271 {strides = array<i32>} : memref<96x128xf32, #tpu.memory_space<vmem>>, vector<1x16xf32>,
        }
        %scan3A_142 = arith.constant 96 : i32
        %add3A_143 = arith.addi %mul3A_8, %add3A_85 : i32
        %mul3A_144 = arith.constant 96 : i32
        %mul3A_145 = arith.muli %add3A_143, %mul3A_144 : i32
        %dma_start3A = arith.constant 0 : i32
        %dma_start3A_146 = tpu.memref_slice %arg5[%mul3A_145, %dma_start3A] : memref<660000x128xf32, #tpu.memory_space<hbm>> -> memref<96x128xf32, #tpu.memory_space<hbm>>
        %dma_start3A_147 = arith.constant 0 : i32
        %dma_start3A_148 = tpu.memref_slice %arg5[%mul3A_145, %dma_start3A_147] : memref<660000x128xf32, #tpu.memory_space<hbm>> -> memref<96x128xf32, #tpu.memory_space<hbm>>
        tpu.enqueue_dma source(%arg14 : memref<96x128xf32, #tpu.memory_space<vmem>>) target(%dma_start3A_148 : memref<96x128xf32, #tpu.memory_space<hbm>>) target_semaphore(%arg21 : memref<!tpu.dma_semaphore, #tpu.memory_space<semaphore_mem>>)
      } else {
      }
      %add3A_98 = arith.constant 3 : i32
      %add3A_99 = arith.addi %add3A_85, %add3A_98 : i32
      %add3A_100 = arith.addi %mul3A_8, %add3A_99 : i32
      %lt3A_101 = arith.constant 6875 : i32
      %lt3A_102 = arith.cmpi slt, %add3A_100, %lt3A_101 : i32
      %lt3A_103 = arith.constant 216 : i32
      %lt3A_104 = arith.cmpi slt, %add3A_99, %lt3A_103 : i32
      %and3A_105 = arith.andi %lt3A_102, %lt3A_104 : i1
      %convert_element_type3A_106 = arith.extui %and3A_105 : i1 to i32
      %cond3A_107 = arith.constant 0 : i32
      %cond3A_108 = arith.cmpi ne, %convert_element_type3A_106, %cond3A_107 : i32
      scf.if %cond3A_108 {
        %mul3A_134 = arith.constant 96 : i32
        %mul3A_135 = arith.muli %add3A_99, %mul3A_134 : i32
        %dma_start3A = tpu.memref_slice %arg6[%mul3A_135] : memref<20736xi32, #tpu.memory_space<vmem>> -> memref<96xi32, #tpu.memory_space<vmem>>
        %dma_start3A_136 = arith.constant 0 : i32
        %dma_start3A_137 = arith.constant 0 : i32
        %dma_start3A_138 = tpu.memref_slice %arg2[%dma_start3A_136, %dma_start3A_137] : memref<20000x128xf32, #tpu.memory_space<hbm>> -> memref<20000x128xf32, #tpu.memory_space<hbm>>
        tpu.enqueue_indirect_dma source(%dma_start3A_138 : memref<20000x128xf32, #tpu.memory_space<hbm>>) target(%arg10 : memref<96x128xf32, #tpu.memory_space<vmem>>) offsets(%dma_start3A : memref<96xi32, #tpu.memory_space<vmem>>) semaphore(%arg17 : memref<!tpu.dma_semaphore, #tpu.memory_space<semaphore_mem>>)
        %mul3A_139 = arith.constant 96 : i32
        %mul3A_140 = arith.muli %add3A_99, %mul3A_139 : i32
        %dma_start3A_141 = tpu.memref_slice %arg7[%mul3A_140] : memref<20736xi32, #tpu.memory_space<vmem>> -> memref<96xi32, #tpu.memory_space<vmem>>
        %dma_start3A_142 = arith.constant 0 : i32
        %dma_start3A_143 = arith.constant 0 : i32
        %dma_start3A_144 = tpu.memref_slice %arg2[%dma_start3A_142, %dma_start3A_143] : memref<20000x128xf32, #tpu.memory_space<hbm>> -> memref<20000x128xf32, #tpu.memory_space<hbm>>
        tpu.enqueue_indirect_dma source(%dma_start3A_144 : memref<20000x128xf32, #tpu.memory_space<hbm>>) target(%arg11 : memref<96x128xf32, #tpu.memory_space<vmem>>) offsets(%dma_start3A_141 : memref<96xi32, #tpu.memory_space<vmem>>) semaphore(%arg18 : memref<!tpu.dma_semaphore, #tpu.memory_space<semaphore_mem>>)
      } else {
      }
      %add3A_109 = arith.constant 2 : i32
      %add3A_110 = arith.addi %mul3A_58, %add3A_109 : i32
      %add3A_111 = arith.addi %mul3A_8, %add3A_110 : i32
      %lt3A_112 = arith.constant 6875 : i32
      %lt3A_113 = arith.cmpi slt, %add3A_111, %lt3A_112 : i32
      %convert_element_type3A_114 = arith.extui %lt3A_113 : i1 to i32
      %cond3A_115 = arith.constant 0 : i32
      %cond3A_116 = arith.cmpi ne, %convert_element_type3A_114, %cond3A_115 : i32
      scf.if %cond3A_116 {
        %mul3A_134 = arith.constant 96 : i32
        %mul3A_135 = arith.muli %add3A_110, %mul3A_134 : i32
        %dma_wait3A_136 = tpu.memref_slice %arg6[%mul3A_135] : memref<20736xi32, #tpu.memory_space<vmem>> -> memref<96xi32, #tpu.memory_space<vmem>>
        %dma_wait3A_137 = arith.constant 0 : i32
        %dma_wait3A_138 = arith.constant 0 : i32
        %dma_wait3A_139 = tpu.memref_slice %arg2[%dma_wait3A_137, %dma_wait3A_138] : memref<20000x128xf32, #tpu.memory_space<hbm>> -> memref<20000x128xf32, #tpu.memory_space<hbm>>
        tpu.wait_indirect_dma semaphore(%arg19 : memref<!tpu.dma_semaphore, #tpu.memory_space<semaphore_mem>>) src(%dma_wait3A_139 : memref<20000x128xf32, #tpu.memory_space<hbm>>) dst(%arg12 : memref<96x128xf32, #tpu.memory_space<vmem>>)
        %mul3A_140 = arith.constant 96 : i32
        %mul3A_141 = arith.muli %add3A_110, %mul3A_140 : i32
        %dma_wait3A_142 = tpu.memref_slice %arg7[%mul3A_141] : memref<20736xi32, #tpu.memory_space<vmem>> -> memref<96xi32, #tpu.memory_space<vmem>>
        %dma_wait3A_143 = arith.constant 0 : i32
        %dma_wait3A_144 = arith.constant 0 : i32
        %dma_wait3A_145 = tpu.memref_slice %arg2[%dma_wait3A_143, %dma_wait3A_144] : memref<20000x128xf32, #tpu.memory_space<hbm>> -> memref<20000x128xf32, #tpu.memory_space<hbm>>
        tpu.wait_indirect_dma semaphore(%arg20 : memref<!tpu.dma_semaphore, #tpu.memory_space<semaphore_mem>>) src(%dma_wait3A_145 : memref<20000x128xf32, #tpu.memory_space<hbm>>) dst(%arg13 : memref<96x128xf32, #tpu.memory_space<vmem>>)
      } else {
      }
      %add3A_117 = arith.addi %mul3A_8, %add3A_110 : i32
      %lt3A_118 = arith.constant 6875 : i32
      %lt3A_119 = arith.cmpi slt, %add3A_117, %lt3A_118 : i32
      %convert_element_type3A_120 = arith.extui %lt3A_119 : i1 to i32
      %cond3A_121 = arith.constant 0 : i32
      %cond3A_122 = arith.cmpi ne, %convert_element_type3A_120, %cond3A_121 : i32
      scf.if %cond3A_122 {
        %gt3A = arith.constant 0 : i32
        %gt3A_134 = arith.cmpi sgt, %add3A_110, %gt3A : i32
        %convert_element_type3A_135 = arith.extui %gt3A_134 : i1 to i32
        %cond3A_136 = arith.constant 0 : i32
        %cond3A_137 = arith.cmpi ne, %convert_element_type3A_135, %cond3A_136 : i32
        scf.if %cond3A_137 {
          %sub3A_149 = arith.constant 1 : i32
          %sub3A_150 = arith.subi %add3A_110, %sub3A_149 : i32
          %add3A_151 = arith.addi %mul3A_8, %sub3A_150 : i32
          %mul3A_152 = arith.constant 96 : i32
          %mul3A_153 = arith.muli %add3A_151, %mul3A_152 : i32
          %dma_wait3A_154 = arith.constant 0 : i32
          %dma_wait3A_155 = tpu.memref_slice %arg5[%mul3A_153, %dma_wait3A_154] : memref<660000x128xf32, #tpu.memory_space<hbm>> -> memref<96x128xf32, #tpu.memory_space<hbm>>
          %dma_wait3A_156 = arith.constant 0 : i32
          %dma_wait3A_157 = tpu.memref_slice %arg5[%mul3A_153, %dma_wait3A_156] : memref<660000x128xf32, #tpu.memory_space<hbm>> -> memref<96x128xf32, #tpu.memory_space<hbm>>
          tpu.wait_dma2 semaphore(%arg21 : memref<!tpu.dma_semaphore, #tpu.memory_space<semaphore_mem>>) src(%arg14 : memref<96x128xf32, #tpu.memory_space<vmem>>) dst(%dma_wait3A_157 : memref<96x128xf32, #tpu.memory_space<hbm>>)
        } else {
        }
        %scan3A_138 = arith.constant 0 : i32
        %scan3A_139 = arith.constant 96 : i32
        %scan3A_140 = arith.addi %scan3A_138, %scan3A_139 : i32
        %scan3A_141 = arith.constant 1 : i32
        scf.for %scan3A_149 = %scan3A_138 to %scan3A_140 step %scan3A_141  : i32 {
          %mul3A_150 = arith.constant 1 : i32
          %mul3A_151 = arith.muli %scan3A_149, %mul3A_150 : i32
          %add3A_152 = arith.constant 0 : i32
          %add3A_153 = arith.addi %add3A_152, %mul3A_151 : i32
          %get3A = arith.index_cast %add3A_153 : i32 to index
          %get3A_154 = arith.constant 0 : index
          %get3A_155 = tpu.vector_load %arg12[%get3A, %get3A_154] {strides = array<i32>} : memref<96x128xf32, #tpu.memory_space<vmem>>, vector<1x16xf32>,
          %get3A_156 = vector.shape_cast %get3A_155 : vector<1x16xf32> to vector<16xf32>
          %get3A_157 = arith.index_cast %add3A_153 : i32 to index
          %get3A_158 = arith.constant 0 : index
          %get3A_159 = tpu.vector_load %arg13[%get3A_157, %get3A_158] {strides = array<i32>} : memref<96x128xf32, #tpu.memory_space<vmem>>, vector<1x16xf32>,
          %get3A_160 = vector.shape_cast %get3A_159 : vector<1x16xf32> to vector<16xf32>
          %add3A_161 = arith.addf %get3A_156, %get3A_160 : vector<16xf32>
          %mul3A_162 = arith.mulf %broadcast_in_dim3A_1, %add3A_161 : vector<16xf32>
          %swap3A = arith.index_cast %add3A_153 : i32 to index
          %swap3A_163 = arith.constant 0 : index
          %swap3A_164 = tpu.vector_load %arg14[%swap3A, %swap3A_163] {strides = array<i32>} : memref<96x128xf32, #tpu.memory_space<vmem>>, vector<1x16xf32>,
          %swap3A_165 = vector.shape_cast %swap3A_164 : vector<1x16xf32> to vector<16xf32>
          %swap3A_166 = vector.shape_cast %mul3A_162 : vector<16xf32> to vector<1x16xf32>
          tpu.vector_store %arg14[%swap3A, %swap3A_163], %swap3A_166 {strides = array<i32>} : memref<96x128xf32, #tpu.memory_space<vmem>>, vector<1x16xf32>,
          %get3A_167 = arith.index_cast %add3A_153 : i32 to index
          %get3A_168 = arith.constant 16 : index
          %get3A_169 = tpu.vector_load %arg12[%get3A_167, %get3A_168] {strides = array<i32>} : memref<96x128xf32, #tpu.memory_space<vmem>>, vector<1x16xf32>,
          %get3A_170 = vector.shape_cast %get3A_169 : vector<1x16xf32> to vector<16xf32>
          %get3A_171 = arith.index_cast %add3A_153 : i32 to index
          %get3A_172 = arith.constant 16 : index
          %get3A_173 = tpu.vector_load %arg13[%get3A_171, %get3A_172] {strides = array<i32>} : memref<96x128xf32, #tpu.memory_space<vmem>>, vector<1x16xf32>,
          %get3A_174 = vector.shape_cast %get3A_173 : vector<1x16xf32> to vector<16xf32>
          %add3A_175 = arith.addf %get3A_170, %get3A_174 : vector<16xf32>
          %mul3A_176 = arith.mulf %broadcast_in_dim3A_1, %add3A_175 : vector<16xf32>
          %swap3A_177 = arith.index_cast %add3A_153 : i32 to index
          %swap3A_178 = arith.constant 16 : index
          %swap3A_179 = tpu.vector_load %arg14[%swap3A_177, %swap3A_178] {strides = array<i32>} : memref<96x128xf32, #tpu.memory_space<vmem>>, vector<1x16xf32>,
          %swap3A_180 = vector.shape_cast %swap3A_179 : vector<1x16xf32> to vector<16xf32>
          %swap3A_181 = vector.shape_cast %mul3A_176 : vector<16xf32> to vector<1x16xf32>
          tpu.vector_store %arg14[%swap3A_177, %swap3A_178], %swap3A_181 {strides = array<i32>} : memref<96x128xf32, #tpu.memory_space<vmem>>, vector<1x16xf32>,
          %get3A_182 = arith.index_cast %add3A_153 : i32 to index
          %get3A_183 = arith.constant 32 : index
          %get3A_184 = tpu.vector_load %arg12[%get3A_182, %get3A_183] {strides = array<i32>} : memref<96x128xf32, #tpu.memory_space<vmem>>, vector<1x16xf32>,
          %get3A_185 = vector.shape_cast %get3A_184 : vector<1x16xf32> to vector<16xf32>
          %get3A_186 = arith.index_cast %add3A_153 : i32 to index
          %get3A_187 = arith.constant 32 : index
          %get3A_188 = tpu.vector_load %arg13[%get3A_186, %get3A_187] {strides = array<i32>} : memref<96x128xf32, #tpu.memory_space<vmem>>, vector<1x16xf32>,
          %get3A_189 = vector.shape_cast %get3A_188 : vector<1x16xf32> to vector<16xf32>
          %add3A_190 = arith.addf %get3A_185, %get3A_189 : vector<16xf32>
          %mul3A_191 = arith.mulf %broadcast_in_dim3A_1, %add3A_190 : vector<16xf32>
          %swap3A_192 = arith.index_cast %add3A_153 : i32 to index
          %swap3A_193 = arith.constant 32 : index
          %swap3A_194 = tpu.vector_load %arg14[%swap3A_192, %swap3A_193] {strides = array<i32>} : memref<96x128xf32, #tpu.memory_space<vmem>>, vector<1x16xf32>,
          %swap3A_195 = vector.shape_cast %swap3A_194 : vector<1x16xf32> to vector<16xf32>
          %swap3A_196 = vector.shape_cast %mul3A_191 : vector<16xf32> to vector<1x16xf32>
          tpu.vector_store %arg14[%swap3A_192, %swap3A_193], %swap3A_196 {strides = array<i32>} : memref<96x128xf32, #tpu.memory_space<vmem>>, vector<1x16xf32>,
          %get3A_197 = arith.index_cast %add3A_153 : i32 to index
          %get3A_198 = arith.constant 48 : index
          %get3A_199 = tpu.vector_load %arg12[%get3A_197, %get3A_198] {strides = array<i32>} : memref<96x128xf32, #tpu.memory_space<vmem>>, vector<1x16xf32>,
          %get3A_200 = vector.shape_cast %get3A_199 : vector<1x16xf32> to vector<16xf32>
          %get3A_201 = arith.index_cast %add3A_153 : i32 to index
          %get3A_202 = arith.constant 48 : index
          %get3A_203 = tpu.vector_load %arg13[%get3A_201, %get3A_202] {strides = array<i32>} : memref<96x128xf32, #tpu.memory_space<vmem>>, vector<1x16xf32>,
          %get3A_204 = vector.shape_cast %get3A_203 : vector<1x16xf32> to vector<16xf32>
          %add3A_205 = arith.addf %get3A_200, %get3A_204 : vector<16xf32>
          %mul3A_206 = arith.mulf %broadcast_in_dim3A_1, %add3A_205 : vector<16xf32>
          %swap3A_207 = arith.index_cast %add3A_153 : i32 to index
          %swap3A_208 = arith.constant 48 : index
          %swap3A_209 = tpu.vector_load %arg14[%swap3A_207, %swap3A_208] {strides = array<i32>} : memref<96x128xf32, #tpu.memory_space<vmem>>, vector<1x16xf32>,
          %swap3A_210 = vector.shape_cast %swap3A_209 : vector<1x16xf32> to vector<16xf32>
          %swap3A_211 = vector.shape_cast %mul3A_206 : vector<16xf32> to vector<1x16xf32>
          tpu.vector_store %arg14[%swap3A_207, %swap3A_208], %swap3A_211 {strides = array<i32>} : memref<96x128xf32, #tpu.memory_space<vmem>>, vector<1x16xf32>,
          %get3A_212 = arith.index_cast %add3A_153 : i32 to index
          %get3A_213 = arith.constant 64 : index
          %get3A_214 = tpu.vector_load %arg12[%get3A_212, %get3A_213] {strides = array<i32>} : memref<96x128xf32, #tpu.memory_space<vmem>>, vector<1x16xf32>,
          %get3A_215 = vector.shape_cast %get3A_214 : vector<1x16xf32> to vector<16xf32>
          %get3A_216 = arith.index_cast %add3A_153 : i32 to index
          %get3A_217 = arith.constant 64 : index
          %get3A_218 = tpu.vector_load %arg13[%get3A_216, %get3A_217] {strides = array<i32>} : memref<96x128xf32, #tpu.memory_space<vmem>>, vector<1x16xf32>,
          %get3A_219 = vector.shape_cast %get3A_218 : vector<1x16xf32> to vector<16xf32>
          %add3A_220 = arith.addf %get3A_215, %get3A_219 : vector<16xf32>
          %mul3A_221 = arith.mulf %broadcast_in_dim3A_1, %add3A_220 : vector<16xf32>
          %swap3A_222 = arith.index_cast %add3A_153 : i32 to index
          %swap3A_223 = arith.constant 64 : index
          %swap3A_224 = tpu.vector_load %arg14[%swap3A_222, %swap3A_223] {strides = array<i32>} : memref<96x128xf32, #tpu.memory_space<vmem>>, vector<1x16xf32>,
          %swap3A_225 = vector.shape_cast %swap3A_224 : vector<1x16xf32> to vector<16xf32>
          %swap3A_226 = vector.shape_cast %mul3A_221 : vector<16xf32> to vector<1x16xf32>
          tpu.vector_store %arg14[%swap3A_222, %swap3A_223], %swap3A_226 {strides = array<i32>} : memref<96x128xf32, #tpu.memory_space<vmem>>, vector<1x16xf32>,
          %get3A_227 = arith.index_cast %add3A_153 : i32 to index
          %get3A_228 = arith.constant 80 : index
          %get3A_229 = tpu.vector_load %arg12[%get3A_227, %get3A_228] {strides = array<i32>} : memref<96x128xf32, #tpu.memory_space<vmem>>, vector<1x16xf32>,
          %get3A_230 = vector.shape_cast %get3A_229 : vector<1x16xf32> to vector<16xf32>
          %get3A_231 = arith.index_cast %add3A_153 : i32 to index
          %get3A_232 = arith.constant 80 : index
          %get3A_233 = tpu.vector_load %arg13[%get3A_231, %get3A_232] {strides = array<i32>} : memref<96x128xf32, #tpu.memory_space<vmem>>, vector<1x16xf32>,
          %get3A_234 = vector.shape_cast %get3A_233 : vector<1x16xf32> to vector<16xf32>
          %add3A_235 = arith.addf %get3A_230, %get3A_234 : vector<16xf32>
          %mul3A_236 = arith.mulf %broadcast_in_dim3A_1, %add3A_235 : vector<16xf32>
          %swap3A_237 = arith.index_cast %add3A_153 : i32 to index
          %swap3A_238 = arith.constant 80 : index
          %swap3A_239 = tpu.vector_load %arg14[%swap3A_237, %swap3A_238] {strides = array<i32>} : memref<96x128xf32, #tpu.memory_space<vmem>>, vector<1x16xf32>,
          %swap3A_240 = vector.shape_cast %swap3A_239 : vector<1x16xf32> to vector<16xf32>
          %swap3A_241 = vector.shape_cast %mul3A_236 : vector<16xf32> to vector<1x16xf32>
          tpu.vector_store %arg14[%swap3A_237, %swap3A_238], %swap3A_241 {strides = array<i32>} : memref<96x128xf32, #tpu.memory_space<vmem>>, vector<1x16xf32>,
          %get3A_242 = arith.index_cast %add3A_153 : i32 to index
          %get3A_243 = arith.constant 96 : index
          %get3A_244 = tpu.vector_load %arg12[%get3A_242, %get3A_243] {strides = array<i32>} : memref<96x128xf32, #tpu.memory_space<vmem>>, vector<1x16xf32>,
          %get3A_245 = vector.shape_cast %get3A_244 : vector<1x16xf32> to vector<16xf32>
          %get3A_246 = arith.index_cast %add3A_153 : i32 to index
          %get3A_247 = arith.constant 96 : index
          %get3A_248 = tpu.vector_load %arg13[%get3A_246, %get3A_247] {strides = array<i32>} : memref<96x128xf32, #tpu.memory_space<vmem>>, vector<1x16xf32>,
          %get3A_249 = vector.shape_cast %get3A_248 : vector<1x16xf32> to vector<16xf32>
          %add3A_250 = arith.addf %get3A_245, %get3A_249 : vector<16xf32>
          %mul3A_251 = arith.mulf %broadcast_in_dim3A_1, %add3A_250 : vector<16xf32>
          %swap3A_252 = arith.index_cast %add3A_153 : i32 to index
          %swap3A_253 = arith.constant 96 : index
          %swap3A_254 = tpu.vector_load %arg14[%swap3A_252, %swap3A_253] {strides = array<i32>} : memref<96x128xf32, #tpu.memory_space<vmem>>, vector<1x16xf32>,
          %swap3A_255 = vector.shape_cast %swap3A_254 : vector<1x16xf32> to vector<16xf32>
          %swap3A_256 = vector.shape_cast %mul3A_251 : vector<16xf32> to vector<1x16xf32>
          tpu.vector_store %arg14[%swap3A_252, %swap3A_253], %swap3A_256 {strides = array<i32>} : memref<96x128xf32, #tpu.memory_space<vmem>>, vector<1x16xf32>,
          %get3A_257 = arith.index_cast %add3A_153 : i32 to index
          %get3A_258 = arith.constant 112 : index
          %get3A_259 = tpu.vector_load %arg12[%get3A_257, %get3A_258] {strides = array<i32>} : memref<96x128xf32, #tpu.memory_space<vmem>>, vector<1x16xf32>,
          %get3A_260 = vector.shape_cast %get3A_259 : vector<1x16xf32> to vector<16xf32>
          %get3A_261 = arith.index_cast %add3A_153 : i32 to index
          %get3A_262 = arith.constant 112 : index
          %get3A_263 = tpu.vector_load %arg13[%get3A_261, %get3A_262] {strides = array<i32>} : memref<96x128xf32, #tpu.memory_space<vmem>>, vector<1x16xf32>,
          %get3A_264 = vector.shape_cast %get3A_263 : vector<1x16xf32> to vector<16xf32>
          %add3A_265 = arith.addf %get3A_260, %get3A_264 : vector<16xf32>
          %mul3A_266 = arith.mulf %broadcast_in_dim3A_1, %add3A_265 : vector<16xf32>
          %swap3A_267 = arith.index_cast %add3A_153 : i32 to index
          %swap3A_268 = arith.constant 112 : index
          %swap3A_269 = tpu.vector_load %arg14[%swap3A_267, %swap3A_268] {strides = array<i32>} : memref<96x128xf32, #tpu.memory_space<vmem>>, vector<1x16xf32>,
          %swap3A_270 = vector.shape_cast %swap3A_269 : vector<1x16xf32> to vector<16xf32>
          %swap3A_271 = vector.shape_cast %mul3A_266 : vector<16xf32> to vector<1x16xf32>
          tpu.vector_store %arg14[%swap3A_267, %swap3A_268], %swap3A_271 {strides = array<i32>} : memref<96x128xf32, #tpu.memory_space<vmem>>, vector<1x16xf32>,
        }
        %scan3A_142 = arith.constant 96 : i32
        %add3A_143 = arith.addi %mul3A_8, %add3A_110 : i32
        %mul3A_144 = arith.constant 96 : i32
        %mul3A_145 = arith.muli %add3A_143, %mul3A_144 : i32
        %dma_start3A = arith.constant 0 : i32
        %dma_start3A_146 = tpu.memref_slice %arg5[%mul3A_145, %dma_start3A] : memref<660000x128xf32, #tpu.memory_space<hbm>> -> memref<96x128xf32, #tpu.memory_space<hbm>>
        %dma_start3A_147 = arith.constant 0 : i32
        %dma_start3A_148 = tpu.memref_slice %arg5[%mul3A_145, %dma_start3A_147] : memref<660000x128xf32, #tpu.memory_space<hbm>> -> memref<96x128xf32, #tpu.memory_space<hbm>>
        tpu.enqueue_dma source(%arg14 : memref<96x128xf32, #tpu.memory_space<vmem>>) target(%dma_start3A_148 : memref<96x128xf32, #tpu.memory_space<hbm>>) target_semaphore(%arg21 : memref<!tpu.dma_semaphore, #tpu.memory_space<semaphore_mem>>)
      } else {
      }
      %add3A_123 = arith.constant 3 : i32
      %add3A_124 = arith.addi %add3A_110, %add3A_123 : i32
      %add3A_125 = arith.addi %mul3A_8, %add3A_124 : i32
      %lt3A_126 = arith.constant 6875 : i32
      %lt3A_127 = arith.cmpi slt, %add3A_125, %lt3A_126 : i32
      %lt3A_128 = arith.constant 216 : i32
      %lt3A_129 = arith.cmpi slt, %add3A_124, %lt3A_128 : i32
      %and3A_130 = arith.andi %lt3A_127, %lt3A_129 : i1
      %convert_element_type3A_131 = arith.extui %and3A_130 : i1 to i32
      %cond3A_132 = arith.constant 0 : i32
      %cond3A_133 = arith.cmpi ne, %convert_element_type3A_131, %cond3A_132 : i32
      scf.if %cond3A_133 {
        %mul3A_134 = arith.constant 96 : i32
        %mul3A_135 = arith.muli %add3A_124, %mul3A_134 : i32
        %dma_start3A = tpu.memref_slice %arg6[%mul3A_135] : memref<20736xi32, #tpu.memory_space<vmem>> -> memref<96xi32, #tpu.memory_space<vmem>>
        %dma_start3A_136 = arith.constant 0 : i32
        %dma_start3A_137 = arith.constant 0 : i32
        %dma_start3A_138 = tpu.memref_slice %arg2[%dma_start3A_136, %dma_start3A_137] : memref<20000x128xf32, #tpu.memory_space<hbm>> -> memref<20000x128xf32, #tpu.memory_space<hbm>>
        tpu.enqueue_indirect_dma source(%dma_start3A_138 : memref<20000x128xf32, #tpu.memory_space<hbm>>) target(%arg12 : memref<96x128xf32, #tpu.memory_space<vmem>>) offsets(%dma_start3A : memref<96xi32, #tpu.memory_space<vmem>>) semaphore(%arg19 : memref<!tpu.dma_semaphore, #tpu.memory_space<semaphore_mem>>)
        %mul3A_139 = arith.constant 96 : i32
        %mul3A_140 = arith.muli %add3A_124, %mul3A_139 : i32
        %dma_start3A_141 = tpu.memref_slice %arg7[%mul3A_140] : memref<20736xi32, #tpu.memory_space<vmem>> -> memref<96xi32, #tpu.memory_space<vmem>>
        %dma_start3A_142 = arith.constant 0 : i32
        %dma_start3A_143 = arith.constant 0 : i32
        %dma_start3A_144 = tpu.memref_slice %arg2[%dma_start3A_142, %dma_start3A_143] : memref<20000x128xf32, #tpu.memory_space<hbm>> -> memref<20000x128xf32, #tpu.memory_space<hbm>>
        tpu.enqueue_indirect_dma source(%dma_start3A_144 : memref<20000x128xf32, #tpu.memory_space<hbm>>) target(%arg13 : memref<96x128xf32, #tpu.memory_space<vmem>>) offsets(%dma_start3A_141 : memref<96xi32, #tpu.memory_space<vmem>>) semaphore(%arg20 : memref<!tpu.dma_semaphore, #tpu.memory_space<semaphore_mem>>)
      } else {
      }
    }
    %scan3A_40 = arith.constant 72 : i32
    %sub3A_41 = arith.constant 6875 : i32
    %sub3A_42 = arith.subi %sub3A_41, %mul3A_8 : i32
    %jit3A = arith.constant 0 : i32
    %jit3A_43 = arith.constant 216 : i32
    %max3A = arith.maxsi %jit3A, %sub3A_42 : i32
    %min3A = arith.minsi %jit3A_43, %max3A : i32
    %sub3A_44 = arith.constant 1 : i32
    %sub3A_45 = arith.subi %min3A, %sub3A_44 : i32
    %add3A_46 = arith.addi %mul3A_8, %sub3A_45 : i32
    %mul3A_47 = arith.constant 96 : i32
    %mul3A_48 = arith.muli %add3A_46, %mul3A_47 : i32
    %dma_wait3A = arith.constant 0 : i32
    %dma_wait3A_49 = tpu.memref_slice %arg5[%mul3A_48, %dma_wait3A] : memref<660000x128xf32, #tpu.memory_space<hbm>> -> memref<96x128xf32, #tpu.memory_space<hbm>>
    %dma_wait3A_50 = arith.constant 0 : i32
    %dma_wait3A_51 = tpu.memref_slice %arg5[%mul3A_48, %dma_wait3A_50] : memref<660000x128xf32, #tpu.memory_space<hbm>> -> memref<96x128xf32, #tpu.memory_space<hbm>>
    tpu.wait_dma2 semaphore(%arg21 : memref<!tpu.dma_semaphore, #tpu.memory_space<semaphore_mem>>) src(%arg14 : memref<96x128xf32, #tpu.memory_space<vmem>>) dst(%dma_wait3A_51 : memref<96x128xf32, #tpu.memory_space<hbm>>)
    return
  }
}

</mosaic_0001>

<sc_bundles>
// kernel: kernel.3.cloned.1.call-start
scs
__scs_entry_jumppad:
0x0: {  	(pc) =	sbr.rel $0x88, $3  }
0x1: {  	(tag) =	ssettag $0x0;
	lr =	simm.s32 $0x1  }
0x2: {  	[smem:$0x3F9F] =	sst lr;
	_ =	strace $0xD0000000  }
0x3: {  	_ = 	snop  }
0x4: {  	_ = 	snop  }
0x5: {  	_ = 	snop  }
0x6: {  	_ = 	snop  }
0x7: {  	_ = 	snop  }
__scs_overlays_trampoline_lowered:
0x8: {  	[smem:$0x3FAE] =	sst s0  }
0x9: {  	[smem:$0x3FAF] =	sst s1  }
0xa: {  	[smem:$0x3FB0] =	sst s2  }
0xb: {  	[smem:$0x3FB1] =	sst s3  }
0xc: {  	[smem:$0x3FB2] =	sst s4  }
0xd: {  	[smem:$0x3FB3] =	sst s5  }
0xe: {  	[smem:$0x3FB4] =	sst s6  }
0xf: {  	[smem:$0x3FB5] =	sst s7  }
0x10: {  	[smem:$0x3FB6] =	sst s8  }
0x11: {  	[smem:$0x3FB7] =	sst s9;
	s0 =	simm.s32 @!p0 $0x0  }
0x12: {  	s1 =	sld [smem:$0x3F9D];
	s0 =	simm.s32 @p0 $0x1  }
0x13: {  	[smem:$0x3FB8] =	sst s0;
	s0 =	simm.s32 @!p1 $0x0  }
0x14: {  	s2 =	sld [smem:$0x3F9C];
	s0 =	simm.s32 @p1 $0x1  }
0x15: {  	[smem:$0x3FB9] =	sst s0;
	s0 =	simm.s32 @!p2 $0x0  }
0x16: {  	s3 =	sld [smem:$0x3FDB];
	s0 =	simm.s32 @p2 $0x1  }
0x17: {  	s4 =	simm.s32 $0x1BF5;
	[smem:$0x3FBB] =	sst s0  }
0x18: {  	s0 =	sld [smem:$0x3F9E];
	_ =	swait.ge [sflag:s4], $0x0  }
0x19: {  	s7 =	sld [smem:$0x3F9F]  }
0x1a: {  	s8 =	sadd.s32 $0xFFFFE003, lr  }
0x1b: {  	s9 =	sadd.s32 $0xFFFFFEF7, lr;
	s5 =	simm.s32 $0xFFFFFFFF;
	p2 =	slt.u32 s8, $0xFFFFF086  }
0x1c: {  	p1 =	slt.u32 s9, $0xF7A;
	s5 =	simm.s32 @!p2 $0x0  }
0x1d: {  	s5 =	simm.s32 @p1 $0x1;
	p0 =	seq.s32 s7, s2  }
0x1e: {  	s7 =	smul.u32 @!p0 $0xF7A, s2;
	p2 =	seq.s32 @!p0 s5, $0x0  }
0x1f: {  	s9 =	smul.u32 $0xF7A, s1;
	s8 =	simm.s32 @!p0 $0x1BF5;
	p2 =	por !p2, p0  }
0x20: {  	[sflag:s8] =	ssyncset.s32 @!p0 $0xFFFFF086;
	s6 =	sadd.s32 @!p0 s3, s7;
	s7 =	simm.s32 @!p0 $0x108  }
0x21: {  	s3 =	sadd.s32 s3, s9;
	s6 =	sadd.s32 @!p0 $0x88, s6;
	s7 =	simm.s32 @p2 $0x1082  }
0x22: {  	[simem:s7], [sflag:s8] =	dma.local @!p0 [hbm:s6], $0xF7A  }
0x23: {  	s9 =	sor.u32 $0xD0000000, s2;
	s6 =	simm.s32 $0x108;
	_ =	swait.ge @!p0 [sflag:s8], $0x0  }
0x24: {  	s3 =	sadd.s32 $0x88, s3;
	s6 =	simm.s32 @!p1 $0x1082;
	[sflag:s4] =	ssyncset.s32 $0xFFFFF086  }
0x25: {  	[simem:s6], [sflag:s4] =	dma.local [hbm:s3], $0xF7A  }
0x26: {  	[smem:$0x3F9F] =	sst s1;
	(tag) =	ssettag s2;
	_ =	strace s9  }
0x27: {  	s1 =	sld [smem:$0x3FAF]  }
0x28: {  	s2 =	sld [smem:$0x3FB0]  }
0x29: {  	s4 =	sld [smem:$0x3FB2]  }
0x2a: {  	p0 =	seq.s32 s5, $0x0;
	s5 =	sld [smem:$0x3FB3]  }
0x2b: {  	s6 =	sld [smem:$0x3FB4]  }
0x2c: {  	s7 =	sld [smem:$0x3FB5]  }
0x2d: {  	s3 =	simm.s32 $0x108;
	s8 =	sld [smem:$0x3FB6]  }
0x2e: {  	s3 =	simm.s32 @!p0 $0x1082;
	s9 =	sld [smem:$0x3FB7]  }
0x2f: {  	lr =	sadd.s32 s0, s3;
	s0 =	sld [smem:$0x3FAE]  }
0x30: {  	s3 =	sld [smem:$0x3FB1]  }
0x31: {  	[smem:$0x3FBA] =	sst s10  }
0x32: {  	s10 =	sld [smem:$0x3FB8];
	_ =	sdelay $0x3  }
0x33: {  	p0 =	seq.s32 s10, $0x1;
	s10 =	sld [smem:$0x3FBA];
	_ =	sdelay $0x3  }
0x34: {  	[smem:$0x3FBA] =	sst s10  }
0x35: {  	s10 =	sld [smem:$0x3FB9];
	_ =	sdelay $0x3  }
0x36: {  	p1 =	seq.s32 s10, $0x1;
	s10 =	sld [smem:$0x3FBA];
	_ =	sdelay $0x3  }
0x37: {  	[smem:$0x3FBA] =	sst s10  }
0x38: {  	s10 =	sld [smem:$0x3FBB]  }
0x39: {  	_ = 	snop;
	(pc) =	sbr.ind lr, $3  }
0x3a: {  	_ = 	snop  }
0x3b: {  	_ = 	snop  }
0x3c: {  	p2 =	seq.s32 s10, $0x1;
	s10 =	sld [smem:$0x3FBA]  }
0x3d: {  	_ =	shalt  }
0x3e: {  	_ =	shalt  }
0x3f: {  	_ =	shalt  }
0x40: {  	_ =	shalt  }
0x41: {  	_ =	shalt  }
0x42: {  	_ =	shalt  }
0x43: {  	_ =	shalt  }
0x44: {  	_ =	shalt  }
0x45: {  	_ =	shalt  }
0x46: {  	_ =	shalt  }
0x47: {  	_ =	shalt  }
0x48: {  	_ =	shalt  }
0x49: {  	_ =	shalt  }
0x4a: {  	_ =	shalt  }
0x4b: {  	_ =	shalt  }
0x4c: {  	_ =	shalt  }
0x4d: {  	_ =	shalt  }
0x4e: {  	_ =	shalt  }
0x4f: {  	_ =	shalt  }
0x50: {  	_ =	shalt  }
0x51: {  	_ =	shalt  }
0x52: {  	_ =	shalt  }
0x53: {  	_ =	shalt  }
0x54: {  	_ =	shalt  }
0x55: {  	_ =	shalt  }
0x56: {  	_ =	shalt  }
0x57: {  	_ =	shalt  }
0x58: {  	_ =	shalt  }
0x59: {  	_ =	shalt  }
0x5a: {  	_ =	shalt  }
0x5b: {  	_ =	shalt  }
0x5c: {  	_ =	shalt  }
0x5d: {  	_ =	shalt  }
0x5e: {  	_ =	shalt  }
0x5f: {  	_ =	shalt  }
0x60: {  	_ =	shalt  }
0x61: {  	_ =	shalt  }
0x62: {  	_ =	shalt  }
0x63: {  	_ =	shalt  }
0x64: {  	_ =	shalt  }
0x65: {  	_ =	shalt  }
0x66: {  	_ =	shalt  }
0x67: {  	_ =	shalt  }
0x68: {  	_ =	shalt  }
0x69: {  	_ =	shalt  }
0x6a: {  	_ =	shalt  }
0x6b: {  	_ =	shalt  }
0x6c: {  	_ =	shalt  }
0x6d: {  	_ =	shalt  }
0x6e: {  	_ =	shalt  }
0x6f: {  	_ =	shalt  }
0x70: {  	_ =	shalt  }
0x71: {  	_ =	shalt  }
0x72: {  	_ =	shalt  }
0x73: {  	_ =	shalt  }
0x74: {  	_ =	shalt  }
0x75: {  	_ =	shalt  }
0x76: {  	_ =	shalt  }
0x77: {  	_ =	shalt  }
0x78: {  	_ =	shalt  }
0x79: {  	_ =	shalt  }
0x7a: {  	_ =	shalt  }
0x7b: {  	_ =	shalt  }
0x7c: {  	_ =	shalt  }
0x7d: {  	_ =	shalt  }
0x7e: {  	_ =	shalt  }
0x7f: {  	_ =	shalt  }
0x80: {  	_ =	shalt  }
0x81: {  	_ =	shalt  }
0x82: {  	_ =	shalt  }
0x83: {  	_ =	shalt  }
0x84: {  	_ =	shalt  }
0x85: {  	_ =	shalt  }
0x86: {  	_ =	shalt  }
0x87: {  	_ =	shalt  }
.Lfunc_end0:
.L_simem_size_0:
called_computation_lowered:
.L_overlay_start_0:
0x88: {  	s2 =	sld [smem:$0x3FD9]  }
0x89: {  	s3 =	sld [smem:$0x3FFE];
	_ =	sdelay $0x1  }
0x8a: {  	s1 =	srdreg.scid  }
0x8b: {  	s0 =	sand.u32 $0x1, s1  }
0x8c: {  	s17 =	sshll.u32 s0, $0xA;
	s2 =	sadd.s32 s3, s2  }
0x8d: {  	s2 =	sadd.s32 s2, s17  }
0x8e: {  	[smem:$0x3FC6] =	sst s2  }
0x8f: {  	_ = 	snop  }
0x90: {  	s2 =	sld [smem:$0x3FC9]  }
0x91: {  	s18 =	sld [smem:$0x3FD0];
	(tm) =	ssettm $0x1  }
0x92: {  	s4 =	sld [smem:$0x3FFB];
	_ =	sdelay $0x3  }
0x93: {  	_ =	strace s4  }
0x94: {  	s4 =	sld [smem:$0x3FFC];
	_ =	sdelay $0x3  }
0x95: {  	_ =	strace s4  }
0x96: {  	s4 =	sld [smem:$0x3FFD];
	_ =	sdelay $0x3  }
0x97: {  	_ =	strace s4  }
0x98: {  	_ =	strace $0x8FFFFFFF  }
0x99: {  	s19 =	sld [smem:$0x3FDB];
	_ =	sdelay $0x1  }
0x9a: {  	s5 =	simm.s32 $_scs_section_size  }
0x9b: {  	s6 =	simm.s32 $_size__tile_overlayer_lowered;
	s7 =	simm.s32 $_tile_overlayer_lowered  }
0x9c: {  	s22 =	simm.s32 $0x1BFF;
	s21 =	sshll.u32 s7, $0x1;
	s4 =	sadd.s32 s5, s19  }
0x9d: {  	s8 =	simm.s32 $0x0;
	s20 =	sshll.u32 s6, $0x1;
	s6 =	sadd.s32 s21, s4  }
0x9e: {  	[timem:s8], [sflag:s22] =	dma.local [hbm:s6], s20  }
0x9f: {  	_ =	swait.ge [sflag:s22], s20  }
0xa0: {  	s5 =	ssub.s32 $0x0, s20;
	[sflag:s22] =	ssyncset.done $0x0  }
0xa1: {  	[sflag:s22] =	ssyncadd.s32 s5;
	_ =	sdelay $0x1  }
0xa2: {  	s23 =	simm.s32 $0x1B8B  }
0xa3: {  	_ =	swait.ge [sflag:s23], $0x1  }
0xa4: {  	[sflag:s23] =	ssyncset.done $0x0  }
0xa5: {  	s25 =	simm.s32 $0x1B8E;
	s24 =	sld [smem:$0x3FFE];
	[sflag:s23] =	ssyncadd.s32 $0xFFFFFFFF  }
0xa6: {  	s26 =	simm.s32 $execute0_lowered;
	[smem:$0x3FD2] =	sst s25  }
0xa7: {  	s6 =	sshll.u32 s26, $0x1;
	_ =	strace $0x80000046;
	[dreg:$0x1] =	wrdreg $0xFFFFFFFF  }
0xa8: {  	s28 =	simm.s32 $_size_execute0_lowered;
	s4 =	sadd.s32 s4, s6;
	[dreg:$0x0] =	wrdreg $0x0  }
0xa9: {  	s6 =	sshll.u32 s28, $0x1;
	[dreg:$0x2] =	wrdreg s4  }
0xaa: {  	[dreg:$0x3] =	wrdreg s6  }
0xab: {  	[dreg:$0x4] =	wrdreg $0xC0  }
0xac: {  	_ =	task [dreg:s8], $0x5FFFF  }
0xad: {  	[dreg:$0x1] =	wrdreg $0xFFFFFFFF  }
0xae: {  	[dreg:$0x0] =	wrdreg $0x60  }
0xaf: {  	[dreg:$0x2] =	wrdreg s2  }
0xb0: {  	[dreg:$0x3] =	wrdreg s24  }
0xb1: {  	[dreg:$0x4] =	wrdreg s18  }
0xb2: {  	[dreg:$0x5] =	wrdreg $0x9  }
0xb3: {  	_ =	task.clear_ibuf [dreg:s8], $0x6FFFF;
	_ =	strace $0x90000046  }
0xb4: {  	s29 =	simm.s32 $0x9;
	_ =	strace $0x80000048  }
0xb5: {  	_ =	swait.ge [sflag:s29], $0x1  }
0xb6: {  	[sflag:s29] =	ssyncadd.s32 $0xFFFFFFFF  }
0xb7: {  	_ =	strace $0x90000048  }
0xb8: {  	_ =	sfence  }
0xb9: {  	s30 =	sld [smem:$0x0];
	_ =	sdelay $0x2  }
0xba: {  	s31 =	sshll.u32 s1, $0xD;
	s1 =	sshrl.u32 s1, $0x2  }
0xbb: {  	s3 =	sand.u32 $0x4000, s31;
	s1 =	sadd.s32 s1, s30  }
0xbc: {  	s0 =	sor.u32 s3, s0;
	s1 =	sshll.u32 s1, $0x11  }
0xbd: {  	s0 =	sor.u32 s1, s0  }
0xbe: {  	s0 =	sadd.s32 $0x8F2B, s0  }
0xbf: {  	[sflag:s0] =	ssyncadd.remote.s32 $0x1  }
0xc0: {  	_ =	sfence.sel $0xFFFF  }
0xc1: {  	[dreg:$0x0] =	wrdreg $0xFFFFFFFF;
	(pc) =	sbr.abs _section_cstart, $3  }
0xc2: {  	[dreg:$0x1] =	wrdreg $0xFFFFFFFF  }
0xc3: {  	_ =	task.clear_ibuf [dreg:s8], $0x2FFFF;
	_ =	strace $0x9FFFFFFF  }
0xc4: {  	(tm) =	ssettm $0x7FFFFFFF  }
0xc5: {  	_ =	shalt  }
tec
execute0_lowered:
.L_overlay_start_1:
0x0: {  	(tag) =	ssettag $0x1  }
0x1: {  	s1 =	rddreg [dreg:$0x0]  }
0x2: {  	s0 =	srdreg.scid;
	s6 =	rddreg [dreg:$0x1]  }
0x3: {  	s2 =	stileid.u32;
	s4 =	simm.s32 $0x1;
	s3 =	rddreg [dreg:$0x2]  }
0x4: {  	s13 =	simm.s32 $0x8;
	s14 =	simm.s32 $0x5100;
	s15 =	simm.s32 $0x60  }
0x5: {  	s22 =	simm.s32 $0x16200;
	s23 =	simm.s32 $0x51C0;
	s24 =	simm.s32 $0x19200  }
0x6: {  	s25 =	simm.s32 $0x2;
	s0 =	sand.u32 $0x1, s0;
	s2 =	sshll.u32 s2, $0x1  }
0x7: {  	s26 =	simm.s32 $0x1C200;
	s28 =	simm.s32 $0x3;
	s2 =	sor.u32 s0, s2  }
0x8: {  	s29 =	simm.s32 $0x4;
	p0 =	seq.s32 s2, $0x10;
	p1 =	seq.s32 s2, $0x11  }
0x9: {  	s0 =	ssub.s32 $0x2, s0;
	s2 =	simm.s32 @p0 $0x11;
	s4 =	simm.s32 @!p1 $0x0  }
0xa: {  	s30 =	simm.s32 $0x7;
	s8 =	sshrl.u32 s0, $0x1;
	s2 =	ssub.s32 s2, s4  }
0xb: {  	s31 =	simm.s32 $0x5;
	s0 =	ssub.s32 s0, s8;
	s5 =	smul.u32 $0x5100, s2  }
.Ltmp0:
0xc: {  	s4 =	simm.s32 $0x0;
	s12 =	smax.u32 s0, $0x1;
	(pc) =	sbr.rel .LBB2_1-.Ltmp0, $4  }
0xd: {  	s0 =	simm.s32 $0x0;
	[smem:$0x7FF] =	sst s4;
	s7 =	sshrl.u32 s5, $0x3  }
0xe: {  	_ =	strace $0x80000047;
	s5 =	smul.u32 $0xD8, s2;
	s6 =	sadd.s32 s6, s7  }
0xf: {  	s2 =	simm.s32 $0x6;
	s7 =	simm.s32 $0x1;
	s8 =	sadd.s32 $0x14400, s6  }
0x10: {  	s9 =	ssub.s32 $0x1ADB, s5;
	s10 =	sor.u32 $0x1, s5;
	s11 =	sor.u32 $0x2, s5  }
.LBB2_15:
0x11: {  	s0 =	sadd.s32 $0x1, s0  }
0x12: {  	p0 =	sne.s32 s0, s12  }
.Ltmp1:
0x13: {  	_ = 	snop;
	(pc) =	sbr.rel @!p0 .LBB2_16-.Ltmp1, $4  }
0x14: {  	_ = 	snop  }
0x15: {  	_ =	swait.ge [sflag:s30], $0x3000  }
0x16: {  	[sflag:s30] =	ssyncset.done $0x0  }
0x17: {  	[sflag:s30] =	ssyncadd.s32 $0xFFFFD000  }
.LBB2_1:
0x18: {  	[tilespmem:s4], [sflag:$0x8] =	stream.linear.gather [hbm4b:s8+s4], $0x5100, $0x38;
	[tilespmem:$0x1F200] =	vst v63  }
0x19: {  	_ =	swait.ge [sflag:s13], $0x5100  }
0x1a: {  	[sflag:s13] =	ssyncset.done $0x0  }
0x1b: {  	[sflag:s13] =	ssyncadd.s32 $0xFFFFAF00  }
0x1c: {  	[tilespmem:s14], [sflag:$0x8] =	stream.linear.gather [hbm4b:s6+s4], $0x5100, $0x38;
	[tilespmem:$0x1F200] =	vst v63  }
0x1d: {  	_ =	swait.ge [sflag:s13], $0x5100  }
0x1e: {  	[sflag:s13] =	ssyncset.done $0x0  }
0x1f: {  	s16 =	simm.s32 $0xA200;
	[sflag:s13] =	ssyncadd.s32 $0xFFFFAF00  }
0x20: {  	[tilespmem:s16], [sflag:$0x1] =	stream.indirect.gather [hbm4b:s1+s15], $0x80, s4, s15, $0xb8;
	[tilespmem:$0x1F200] =	vst v63  }
0x21: {  	s18 =	simm.s32 $0xD200  }
0x22: {  	[tilespmem:s18], [sflag:$0x2] =	stream.indirect.gather [hbm4b:s1+s15], $0x80, s14, s15, $0xb8;
	[tilespmem:$0x1F200] =	vst v63  }
0x23: {  	s19 =	simm.s32 $0x10200  }
0x24: {  	[tilespmem:s19], [sflag:$0x3] =	stream.indirect.gather [hbm4b:s1+s15], $0x80, s15, s15, $0xb8;
	[tilespmem:$0x1F200] =	vst v63  }
0x25: {  	s20 =	simm.s32 $0x5160;
	s17 =	simm.s32 $0x13200  }
0x26: {  	[tilespmem:s17], [sflag:$0x4] =	stream.indirect.gather [hbm4b:s1+s15], $0x80, s20, s15, $0xb8;
	[tilespmem:$0x1F200] =	vst v63  }
.Ltmp2:
0x27: {  	_ = 	snop;
	(pc) =	sbr.rel .LBB2_2-.Ltmp2, $4  }
0x28: {  	s21 =	simm.s32 $0xC0  }
0x29: {  	[tilespmem:s22], [sflag:$0x5] =	stream.indirect.gather [hbm4b:s1+s15], $0x80, s21, s15, $0xb8;
	[tilespmem:$0x1F200] =	vst v63  }
0x2a: {  	s16 =	simm.s32 $0x0  }
0x2b: {  	[tilespmem:s24], [sflag:$0x6] =	stream.indirect.gather [hbm4b:s1+s15], $0x80, s23, s15, $0xb8;
	[tilespmem:$0x1F200] =	vst v63  }
.LBB2_14:
0x2c: {  	s17 =	sadd.s32 $0x5, s17  }
0x2d: {  	p1 =	sge.u32 @!p0 s17, s9  }
0x2e: {  	p0 =	por p1, p0  }
0x2f: {  	s17 =	smul.u32 @!p0 $0x60, s17  }
0x30: {  	s18 =	simm.s32 @!p0 $0x60;
	s19 =	simm.s32 @!p0 $0x16200  }
0x31: {  	[tilespmem:s19], [sflag:$0x5] =	stream.indirect.gather @!p0 [hbm4b:s1+s18], $0x80, s17, s18, $0xb8;
	[tilespmem:$0x1F200] =	vst v63  }
0x32: {  	s16 =	sadd.s32 $0x1, s16;
	s17 =	sadd.s32 @!p0 $0x5100, s17;
	s19 =	simm.s32 @!p0 $0x19200  }
0x33: {  	[tilespmem:s19], [sflag:$0x6] =	stream.indirect.gather @!p0 [hbm4b:s1+s18], $0x80, s17, s18, $0xb8;
	[tilespmem:$0x1F200] =	vst v63  }
0x34: {  	p0 =	sne.s32 s16, $0x48  }
.Ltmp3:
0x35: {  	_ = 	snop;
	(pc) =	sbr.rel @!p0 .LBB2_15-.Ltmp3, $1  }
0x36: {  	_ =	sdelay $0x3  }
.LBB2_2:
0x37: {  	s17 =	smul.u32 $0x3, s16;
	_ =	sdelay $0x1  }
0x38: {  	s18 =	sadd.s32 s5, s17  }
0x39: {  	p0 =	sgt.s32 s18, $0x1ADA  }
.Ltmp4:
0x3a: {  	_ = 	snop;
	(pc) =	sbr.rel @p0 .LBB2_6-.Ltmp4, $1  }
0x3b: {  	_ =	sdelay $0x3  }
0x3c: {  	_ =	swait.ge [sflag:s7], $0x3000  }
0x3d: {  	[sflag:s7] =	ssyncset.done $0x0  }
0x3e: {  	[sflag:s7] =	ssyncadd.s32 $0xFFFFD000  }
0x3f: {  	_ =	swait.ge [sflag:s25], $0x3000  }
0x40: {  	p0 =	seq.s32 s16, $0x0;
	[sflag:s25] =	ssyncset.done $0x0  }
0x41: {  	s19 =	simm.s32 @!p0 $0x7;
	[sflag:s25] =	ssyncadd.s32 $0xFFFFD000  }
0x42: {  	_ =	swait.ge @!p0 [sflag:s19], $0x3000  }
0x43: {  	[sflag:s19] =	ssyncset.done @!p0 $0x0  }
0x44: {  	[sflag:s19] =	ssyncadd.s32 @!p0 $0xFFFFD000;
	s19 =	simm.s32 $0x0  }
0x45: {  	v0 =	vld [tilespmem:s19+$0xA270]  }
0x46: {  	v1 =	vld [tilespmem:s19+$0xD270]  }
0x47: {  	v2 =	vld [tilespmem:s19+$0xA200]  }
0x48: {  	v3 =	vld [tilespmem:s19+$0xD200]  }
0x49: {  	v4 =	vld [tilespmem:s19+$0xA210]  }
0x4a: {  	v5 =	vld [tilespmem:s19+$0xD210]  }
0x4b: {  	v6 =	vld [tilespmem:s19+$0xA220]  }
0x4c: {  	v0 =	vadd.f32 v1, v0;
	v1 =	vld [tilespmem:s19+$0xD220]  }
0x4d: {  	v7 =	vld [tilespmem:s19+$0xA230]  }
0x4e: {  	v8 =	vld [tilespmem:s19+$0xD230];
	v2 =	vadd.f32 v3, v2;
	v0 =	vmul.f32 $5.000000000e-01, v0  }
0x4f: {  	v9 =	vld [tilespmem:s19+$0xA240]  }
0x50: {  	v10 =	vld [tilespmem:s19+$0xD240];
	v2 =	vmul.f32 $5.000000000e-01, v2;
	[tilespmem:s19+$0x1C270] =	vst v0;
	v0 =	vadd.f32 v5, v4  }
0x51: {  	v3 =	vld [tilespmem:s19+$0xD250];
	v1 =	vadd.f32 v1, v6  }
0x52: {  	[tilespmem:s19+$0x1C200] =	vst v2;
	v2 =	vld [tilespmem:s19+$0xA250];
	v0 =	vmul.f32 $5.000000000e-01, v0  }
0x53: {  	v4 =	vld [tilespmem:s19+$0xD260];
	v6 =	vadd.f32 v8, v7;
	v5 =	vmul.f32 $5.000000000e-01, v1  }
0x54: {  	s20 =	simm.s32 $0x80;
	[tilespmem:s19+$0x1C210] =	vst v0;
	v0 =	vld [tilespmem:s19+$0xA260]  }
0x55: {  	s21 =	simm.s32 $0x400;
	v1 =	vld [tilespmem:s20+$0xA270];
	[tilespmem:s19+$0x1C220] =	vst v5;
	v5 =	vmul.f32 $5.000000000e-01, v6;
	v6 =	vadd.f32 v10, v9  }
.LBB2_4:
0x56: {  	p0 =	sne.s32 s21, $0xBE00;
	v7 =	vld [tilespmem:s20+$0xD270]  }
0x57: {  	v8 =	vld [tilespmem:s20+$0xA200];
	[tilespmem:s19+$0x1C230] =	vst v5;
	v5 =	vmul.f32 $5.000000000e-01, v6;
	v2 =	vadd.f32 v3, v2  }
0x58: {  	v3 =	vld [tilespmem:s20+$0xD200]  }
0x59: {  	v6 =	vld [tilespmem:s20+$0xA210];
	[tilespmem:s19+$0x1C240] =	vst v5;
	v2 =	vmul.f32 $5.000000000e-01, v2;
	v0 =	vadd.f32 v4, v0  }
0x5a: {  	v4 =	vld [tilespmem:s20+$0xD210]  }
0x5b: {  	v5 =	vld [tilespmem:s20+$0xA220];
	v1 =	vadd.f32 v7, v1;
	[tilespmem:s19+$0x1C250] =	vst v2;
	v0 =	vmul.f32 $5.000000000e-01, v0  }
0x5c: {  	v2 =	vld [tilespmem:s20+$0xD220]  }
0x5d: {  	v3 =	vadd.f32 v3, v8;
	v7 =	vld [tilespmem:s20+$0xA230];
	v1 =	vmul.f32 $5.000000000e-01, v1;
	[tilespmem:s19+$0x1C260] =	vst v0;
	s19 =	smov.u32 s20  }
0x5e: {  	v0 =	vld [tilespmem:s19+$0xD230]  }
0x5f: {  	v3 =	vmul.f32 $5.000000000e-01, v3;
	v4 =	vadd.f32 v4, v6;
	v6 =	vld [tilespmem:s19+$0xA240];
	[tilespmem:s19+$0x1C270] =	vst v1  }
0x60: {  	v8 =	vld [tilespmem:s19+$0xD240]  }
.Ltmp5:
0x61: {  	[tilespmem:s19+$0x1C200] =	vst v3;
	v1 =	vmul.f32 $5.000000000e-01, v4;
	v4 =	vadd.f32 v2, v5;
	v2 =	vld [tilespmem:s19+$0xA250];
	(pc) =	sbr.rel @p0 .LBB2_4-.Ltmp5, $4  }
0x62: {  	v3 =	vld [tilespmem:s19+$0xD250]  }
0x63: {  	[tilespmem:s19+$0x1C210] =	vst v1;
	v5 =	vmul.f32 $5.000000000e-01, v4;
	v7 =	vadd.f32 v0, v7;
	v0 =	vld [tilespmem:s19+$0xA260]  }
0x64: {  	s20 =	sshra.s32 s21, $0x2;
	v4 =	vld [tilespmem:s19+$0xD260]  }
0x65: {  	s21 =	sadd.s32 $0x200, s21;
	v1 =	vld [tilespmem:s20+$0xA270];
	[tilespmem:s19+$0x1C220] =	vst v5;
	v5 =	vmul.f32 $5.000000000e-01, v7;
	v6 =	vadd.f32 v8, v6  }
0x66: {  	v7 =	vld [tilespmem:s20+$0xD270]  }
0x67: {  	v8 =	vld [tilespmem:s20+$0xA200];
	[tilespmem:s19+$0x1C230] =	vst v5;
	v48 =	vmul.f32 $5.000000000e-01, v6;
	v2 =	vadd.f32 v3, v2  }
0x68: {  	v49 =	vld [tilespmem:s20+$0xD200]  }
0x69: {  	v50 =	vld [tilespmem:s20+$0xA210];
	[tilespmem:s19+$0x1C240] =	vst v48;
	v2 =	vmul.f32 $5.000000000e-01, v2;
	v0 =	vadd.f32 v4, v0  }
0x6a: {  	v5 =	vld [tilespmem:s20+$0xD210]  }
0x6b: {  	v51 =	vld [tilespmem:s20+$0xA220];
	[tilespmem:s19+$0x1C250] =	vst v2;
	v0 =	vmul.f32 $5.000000000e-01, v0  }
0x6c: {  	v2 =	vld [tilespmem:s20+$0xD220]  }
0x6d: {  	v52 =	vld [tilespmem:s20+$0xA230];
	[tilespmem:s19+$0x1C260] =	vst v0  }
0x6e: {  	v54 =	vld [tilespmem:s20+$0xD230]  }
0x6f: {  	v55 =	vld [tilespmem:s20+$0xA240]  }
0x70: {  	v57 =	vld [tilespmem:s20+$0xD240]  }
0x71: {  	v59 =	vld [tilespmem:s20+$0xA250]  }
0x72: {  	v1 =	vadd.f32 v7, v1;
	v60 =	vld [tilespmem:s20+$0xD250]  }
0x73: {  	v53 =	vadd.f32 v49, v8;
	v61 =	vld [tilespmem:s20+$0xA260]  }
0x74: {  	v1 =	vmul.f32 $5.000000000e-01, v1;
	v9 =	vld [tilespmem:s20+$0xD260];
	v56 =	vadd.f32 v5, v50  }
0x75: {  	v0 =	vmul.f32 $5.000000000e-01, v53;
	v2 =	vadd.f32 v2, v51  }
0x76: {  	[tilespmem:s20+$0x1C270] =	vst v1;
	v58 =	vmul.f32 $5.000000000e-01, v56;
	v62 =	vadd.f32 v54, v52  }
0x77: {  	[tilespmem:s20+$0x1C200] =	vst v0;
	v2 =	vmul.f32 $5.000000000e-01, v2;
	v3 =	vadd.f32 v57, v55  }
0x78: {  	[tilespmem:s20+$0x1C210] =	vst v58;
	v1 =	vadd.f32 v60, v59;
	v4 =	vmul.f32 $5.000000000e-01, v62  }
0x79: {  	v0 =	vadd.f32 v9, v61;
	[tilespmem:s20+$0x1C220] =	vst v2;
	v63 =	vmul.f32 $5.000000000e-01, v3  }
0x7a: {  	s18 =	smul.u32 $0x3000, s18;
	v1 =	vmul.f32 $5.000000000e-01, v1;
	[tilespmem:s20+$0x1C230] =	vst v4  }
0x7b: {  	v0 =	vmul.f32 $5.000000000e-01, v0;
	[tilespmem:s20+$0x1C240] =	vst v63  }
0x7c: {  	s18 =	sshrl.u32 s18, $0x3;
	[tilespmem:s20+$0x1C250] =	vst v1  }
0x7d: {  	s18 =	sadd.s32 s3, s18;
	[tilespmem:s20+$0x1C260] =	vst v0  }
0x7e: {  	[hbm4b:s18+s4] =	stream.linear.scatter [tilespmem:s26], [sflag:$0x7], $0x3000, $0x38;
	[tilespmem:$0x1F200] =	vst v63  }
.LBB2_6:
0x7f: {  	s18 =	sadd.s32 $0x3, s17;
	p0 =	seq.s32 s16, $0x47  }
0x80: {  	p1 =	sge.u32 @!p0 s18, s9  }
0x81: {  	p1 =	por p1, p0  }
0x82: {  	s18 =	smul.u32 @!p1 $0x60, s18  }
0x83: {  	s19 =	simm.s32 @!p1 $0x60;
	s20 =	simm.s32 @!p1 $0xA200  }
0x84: {  	[tilespmem:s20], [sflag:$0x1] =	stream.indirect.gather @!p1 [hbm4b:s1+s19], $0x80, s18, s19, $0xb8;
	[tilespmem:$0x1F200] =	vst v63  }
0x85: {  	s18 =	sadd.s32 @!p1 $0x5100, s18;
	s20 =	simm.s32 @!p1 $0xD200  }
0x86: {  	[tilespmem:s20], [sflag:$0x2] =	stream.indirect.gather @!p1 [hbm4b:s1+s19], $0x80, s18, s19, $0xb8;
	[tilespmem:$0x1F200] =	vst v63  }
0x87: {  	s18 =	sadd.s32 s17, s10  }
0x88: {  	p1 =	sgt.s32 s18, $0x1ADA  }
.Ltmp6:
0x89: {  	_ = 	snop;
	(pc) =	sbr.rel @p1 .LBB2_10-.Ltmp6, $1  }
0x8a: {  	_ =	sdelay $0x3  }
0x8b: {  	_ =	swait.ge [sflag:s28], $0x3000  }
0x8c: {  	[sflag:s28] =	ssyncset.done $0x0  }
0x8d: {  	[sflag:s28] =	ssyncadd.s32 $0xFFFFD000  }
0x8e: {  	_ =	swait.ge [sflag:s29], $0x3000  }
0x8f: {  	[sflag:s29] =	ssyncset.done $0x0  }
0x90: {  	[sflag:s29] =	ssyncadd.s32 $0xFFFFD000  }
0x91: {  	_ =	swait.ge [sflag:s30], $0x3000  }
0x92: {  	[sflag:s30] =	ssyncset.done $0x0  }
0x93: {  	s19 =	simm.s32 $0x0;
	[sflag:s30] =	ssyncadd.s32 $0xFFFFD000  }
0x94: {  	v0 =	vld [tilespmem:s19+$0x10270]  }
0x95: {  	v1 =	vld [tilespmem:s19+$0x13270]  }
0x96: {  	v2 =	vld [tilespmem:s19+$0x10200]  }
0x97: {  	v3 =	vld [tilespmem:s19+$0x13200]  }
0x98: {  	v4 =	vld [tilespmem:s19+$0x10210]  }
0x99: {  	v5 =	vld [tilespmem:s19+$0x13210]  }
0x9a: {  	v6 =	vld [tilespmem:s19+$0x10220]  }
0x9b: {  	v0 =	vadd.f32 v1, v0;
	v1 =	vld [tilespmem:s19+$0x13220]  }
0x9c: {  	v7 =	vld [tilespmem:s19+$0x10230]  }
0x9d: {  	v8 =	vld [tilespmem:s19+$0x13230];
	v2 =	vadd.f32 v3, v2;
	v0 =	vmul.f32 $5.000000000e-01, v0  }
0x9e: {  	v9 =	vld [tilespmem:s19+$0x10240]  }
0x9f: {  	v10 =	vld [tilespmem:s19+$0x13240];
	v2 =	vmul.f32 $5.000000000e-01, v2;
	[tilespmem:s19+$0x1C270] =	vst v0;
	v0 =	vadd.f32 v5, v4  }
0xa0: {  	v3 =	vld [tilespmem:s19+$0x13250];
	v1 =	vadd.f32 v1, v6  }
0xa1: {  	[tilespmem:s19+$0x1C200] =	vst v2;
	v2 =	vld [tilespmem:s19+$0x10250];
	v0 =	vmul.f32 $5.000000000e-01, v0  }
0xa2: {  	v4 =	vld [tilespmem:s19+$0x13260];
	v6 =	vadd.f32 v8, v7;
	v5 =	vmul.f32 $5.000000000e-01, v1  }
0xa3: {  	s20 =	simm.s32 $0x80;
	[tilespmem:s19+$0x1C210] =	vst v0;
	v0 =	vld [tilespmem:s19+$0x10260]  }
0xa4: {  	s21 =	simm.s32 $0x400;
	v1 =	vld [tilespmem:s20+$0x10270];
	[tilespmem:s19+$0x1C220] =	vst v5;
	v5 =	vmul.f32 $5.000000000e-01, v6;
	v6 =	vadd.f32 v10, v9  }
.LBB2_8:
0xa5: {  	p1 =	sne.s32 s21, $0xBE00;
	v7 =	vld [tilespmem:s20+$0x13270]  }
0xa6: {  	v8 =	vld [tilespmem:s20+$0x10200];
	[tilespmem:s19+$0x1C230] =	vst v5;
	v5 =	vmul.f32 $5.000000000e-01, v6;
	v2 =	vadd.f32 v3, v2  }
0xa7: {  	v3 =	vld [tilespmem:s20+$0x13200]  }
0xa8: {  	v6 =	vld [tilespmem:s20+$0x10210];
	[tilespmem:s19+$0x1C240] =	vst v5;
	v2 =	vmul.f32 $5.000000000e-01, v2;
	v0 =	vadd.f32 v4, v0  }
0xa9: {  	v4 =	vld [tilespmem:s20+$0x13210]  }
0xaa: {  	v5 =	vld [tilespmem:s20+$0x10220];
	v1 =	vadd.f32 v7, v1;
	[tilespmem:s19+$0x1C250] =	vst v2;
	v0 =	vmul.f32 $5.000000000e-01, v0  }
0xab: {  	v2 =	vld [tilespmem:s20+$0x13220]  }
0xac: {  	v3 =	vadd.f32 v3, v8;
	v7 =	vld [tilespmem:s20+$0x10230];
	v1 =	vmul.f32 $5.000000000e-01, v1;
	[tilespmem:s19+$0x1C260] =	vst v0;
	s19 =	smov.u32 s20  }
0xad: {  	v0 =	vld [tilespmem:s19+$0x13230]  }
0xae: {  	v3 =	vmul.f32 $5.000000000e-01, v3;
	v4 =	vadd.f32 v4, v6;
	v6 =	vld [tilespmem:s19+$0x10240];
	[tilespmem:s19+$0x1C270] =	vst v1  }
0xaf: {  	v8 =	vld [tilespmem:s19+$0x13240]  }
.Ltmp7:
0xb0: {  	[tilespmem:s19+$0x1C200] =	vst v3;
	v1 =	vmul.f32 $5.000000000e-01, v4;
	v4 =	vadd.f32 v2, v5;
	v2 =	vld [tilespmem:s19+$0x10250];
	(pc) =	sbr.rel @p1 .LBB2_8-.Ltmp7, $4  }
0xb1: {  	v3 =	vld [tilespmem:s19+$0x13250]  }
0xb2: {  	[tilespmem:s19+$0x1C210] =	vst v1;
	v5 =	vmul.f32 $5.000000000e-01, v4;
	v7 =	vadd.f32 v0, v7;
	v0 =	vld [tilespmem:s19+$0x10260]  }
0xb3: {  	s20 =	sshra.s32 s21, $0x2;
	v4 =	vld [tilespmem:s19+$0x13260]  }
0xb4: {  	s21 =	sadd.s32 $0x200, s21;
	v1 =	vld [tilespmem:s20+$0x10270];
	[tilespmem:s19+$0x1C220] =	vst v5;
	v5 =	vmul.f32 $5.000000000e-01, v7;
	v6 =	vadd.f32 v8, v6  }
0xb5: {  	v7 =	vld [tilespmem:s20+$0x13270]  }
0xb6: {  	v8 =	vld [tilespmem:s20+$0x10200];
	[tilespmem:s19+$0x1C230] =	vst v5;
	v48 =	vmul.f32 $5.000000000e-01, v6;
	v2 =	vadd.f32 v3, v2  }
0xb7: {  	v49 =	vld [tilespmem:s20+$0x13200]  }
0xb8: {  	v50 =	vld [tilespmem:s20+$0x10210];
	[tilespmem:s19+$0x1C240] =	vst v48;
	v2 =	vmul.f32 $5.000000000e-01, v2;
	v0 =	vadd.f32 v4, v0  }
0xb9: {  	v5 =	vld [tilespmem:s20+$0x13210]  }
0xba: {  	v51 =	vld [tilespmem:s20+$0x10220];
	[tilespmem:s19+$0x1C250] =	vst v2;
	v0 =	vmul.f32 $5.000000000e-01, v0  }
0xbb: {  	v2 =	vld [tilespmem:s20+$0x13220]  }
0xbc: {  	v52 =	vld [tilespmem:s20+$0x10230];
	[tilespmem:s19+$0x1C260] =	vst v0  }
0xbd: {  	v54 =	vld [tilespmem:s20+$0x13230]  }
0xbe: {  	v55 =	vld [tilespmem:s20+$0x10240]  }
0xbf: {  	v57 =	vld [tilespmem:s20+$0x13240]  }
0xc0: {  	v59 =	vld [tilespmem:s20+$0x10250]  }
0xc1: {  	v1 =	vadd.f32 v7, v1;
	v60 =	vld [tilespmem:s20+$0x13250]  }
0xc2: {  	v53 =	vadd.f32 v49, v8;
	v61 =	vld [tilespmem:s20+$0x10260]  }
0xc3: {  	v1 =	vmul.f32 $5.000000000e-01, v1;
	v9 =	vld [tilespmem:s20+$0x13260];
	v56 =	vadd.f32 v5, v50  }
0xc4: {  	v0 =	vmul.f32 $5.000000000e-01, v53;
	v2 =	vadd.f32 v2, v51  }
0xc5: {  	[tilespmem:s20+$0x1C270] =	vst v1;
	v58 =	vmul.f32 $5.000000000e-01, v56;
	v62 =	vadd.f32 v54, v52  }
0xc6: {  	[tilespmem:s20+$0x1C200] =	vst v0;
	v2 =	vmul.f32 $5.000000000e-01, v2;
	v3 =	vadd.f32 v57, v55  }
0xc7: {  	[tilespmem:s20+$0x1C210] =	vst v58;
	v1 =	vadd.f32 v60, v59;
	v4 =	vmul.f32 $5.000000000e-01, v62  }
0xc8: {  	v0 =	vadd.f32 v9, v61;
	[tilespmem:s20+$0x1C220] =	vst v2;
	v63 =	vmul.f32 $5.000000000e-01, v3  }
0xc9: {  	s18 =	smul.u32 $0x3000, s18;
	v1 =	vmul.f32 $5.000000000e-01, v1;
	[tilespmem:s20+$0x1C230] =	vst v4  }
0xca: {  	v0 =	vmul.f32 $5.000000000e-01, v0;
	[tilespmem:s20+$0x1C240] =	vst v63  }
0xcb: {  	s18 =	sshrl.u32 s18, $0x3;
	[tilespmem:s20+$0x1C250] =	vst v1  }
0xcc: {  	s18 =	sadd.s32 s3, s18;
	[tilespmem:s20+$0x1C260] =	vst v0  }
0xcd: {  	[hbm4b:s18+s4] =	stream.linear.scatter [tilespmem:s26], [sflag:$0x7], $0x3000, $0x38;
	[tilespmem:$0x1F200] =	vst v63  }
.LBB2_10:
0xce: {  	s18 =	sadd.s32 $0x4, s17  }
0xcf: {  	p1 =	sge.u32 @!p0 s18, s9  }
0xd0: {  	p1 =	por p1, p0  }
0xd1: {  	s18 =	smul.u32 @!p1 $0x60, s18  }
0xd2: {  	s19 =	simm.s32 @!p1 $0x60;
	s20 =	simm.s32 @!p1 $0x10200  }
0xd3: {  	[tilespmem:s20], [sflag:$0x3] =	stream.indirect.gather @!p1 [hbm4b:s1+s19], $0x80, s18, s19, $0xb8;
	[tilespmem:$0x1F200] =	vst v63  }
0xd4: {  	s18 =	sadd.s32 @!p1 $0x5100, s18;
	s20 =	simm.s32 @!p1 $0x13200  }
0xd5: {  	[tilespmem:s20], [sflag:$0x4] =	stream.indirect.gather @!p1 [hbm4b:s1+s19], $0x80, s18, s19, $0xb8;
	[tilespmem:$0x1F200] =	vst v63  }
0xd6: {  	s18 =	sadd.s32 s17, s11  }
0xd7: {  	p1 =	sgt.s32 s18, $0x1ADA  }
.Ltmp8:
0xd8: {  	_ = 	snop;
	(pc) =	sbr.rel @p1 .LBB2_14-.Ltmp8, $1  }
0xd9: {  	_ =	sdelay $0x3  }
0xda: {  	_ =	swait.ge [sflag:s31], $0x3000  }
0xdb: {  	[sflag:s31] =	ssyncset.done $0x0  }
0xdc: {  	[sflag:s31] =	ssyncadd.s32 $0xFFFFD000  }
0xdd: {  	_ =	swait.ge [sflag:s2], $0x3000  }
0xde: {  	[sflag:s2] =	ssyncset.done $0x0  }
0xdf: {  	[sflag:s2] =	ssyncadd.s32 $0xFFFFD000  }
0xe0: {  	_ =	swait.ge [sflag:s30], $0x3000  }
0xe1: {  	[sflag:s30] =	ssyncset.done $0x0  }
0xe2: {  	s19 =	simm.s32 $0x0;
	[sflag:s30] =	ssyncadd.s32 $0xFFFFD000  }
0xe3: {  	v0 =	vld [tilespmem:s19+$0x16270]  }
0xe4: {  	v1 =	vld [tilespmem:s19+$0x19270]  }
0xe5: {  	v2 =	vld [tilespmem:s19+$0x16200]  }
0xe6: {  	v3 =	vld [tilespmem:s19+$0x19200]  }
0xe7: {  	v4 =	vld [tilespmem:s19+$0x16210]  }
0xe8: {  	v5 =	vld [tilespmem:s19+$0x19210]  }
0xe9: {  	v6 =	vld [tilespmem:s19+$0x16220]  }
0xea: {  	v0 =	vadd.f32 v1, v0;
	v1 =	vld [tilespmem:s19+$0x19220]  }
0xeb: {  	v7 =	vld [tilespmem:s19+$0x16230]  }
0xec: {  	v8 =	vld [tilespmem:s19+$0x19230];
	v2 =	vadd.f32 v3, v2;
	v0 =	vmul.f32 $5.000000000e-01, v0  }
0xed: {  	v9 =	vld [tilespmem:s19+$0x16240]  }
0xee: {  	v10 =	vld [tilespmem:s19+$0x19240];
	v2 =	vmul.f32 $5.000000000e-01, v2;
	[tilespmem:s19+$0x1C270] =	vst v0;
	v0 =	vadd.f32 v5, v4  }
0xef: {  	v3 =	vld [tilespmem:s19+$0x19250];
	v1 =	vadd.f32 v1, v6  }
0xf0: {  	[tilespmem:s19+$0x1C200] =	vst v2;
	v2 =	vld [tilespmem:s19+$0x16250];
	v0 =	vmul.f32 $5.000000000e-01, v0  }
0xf1: {  	v4 =	vld [tilespmem:s19+$0x19260];
	v6 =	vadd.f32 v8, v7;
	v5 =	vmul.f32 $5.000000000e-01, v1  }
0xf2: {  	s20 =	simm.s32 $0x80;
	[tilespmem:s19+$0x1C210] =	vst v0;
	v0 =	vld [tilespmem:s19+$0x16260]  }
0xf3: {  	s21 =	simm.s32 $0x400;
	v1 =	vld [tilespmem:s20+$0x16270];
	[tilespmem:s19+$0x1C220] =	vst v5;
	v5 =	vmul.f32 $5.000000000e-01, v6;
	v6 =	vadd.f32 v10, v9  }
.LBB2_12:
0xf4: {  	p1 =	sne.s32 s21, $0xBE00;
	v7 =	vld [tilespmem:s20+$0x19270]  }
0xf5: {  	v8 =	vld [tilespmem:s20+$0x16200];
	[tilespmem:s19+$0x1C230] =	vst v5;
	v5 =	vmul.f32 $5.000000000e-01, v6;
	v2 =	vadd.f32 v3, v2  }
0xf6: {  	v3 =	vld [tilespmem:s20+$0x19200]  }
0xf7: {  	v6 =	vld [tilespmem:s20+$0x16210];
	[tilespmem:s19+$0x1C240] =	vst v5;
	v2 =	vmul.f32 $5.000000000e-01, v2;
	v0 =	vadd.f32 v4, v0  }
0xf8: {  	v4 =	vld [tilespmem:s20+$0x19210]  }
0xf9: {  	v5 =	vld [tilespmem:s20+$0x16220];
	v1 =	vadd.f32 v7, v1;
	[tilespmem:s19+$0x1C250] =	vst v2;
	v0 =	vmul.f32 $5.000000000e-01, v0  }
0xfa: {  	v2 =	vld [tilespmem:s20+$0x19220]  }
0xfb: {  	v3 =	vadd.f32 v3, v8;
	v7 =	vld [tilespmem:s20+$0x16230];
	v1 =	vmul.f32 $5.000000000e-01, v1;
	[tilespmem:s19+$0x1C260] =	vst v0;
	s19 =	smov.u32 s20  }
0xfc: {  	v0 =	vld [tilespmem:s19+$0x19230]  }
0xfd: {  	v3 =	vmul.f32 $5.000000000e-01, v3;
	v4 =	vadd.f32 v4, v6;
	v6 =	vld [tilespmem:s19+$0x16240];
	[tilespmem:s19+$0x1C270] =	vst v1  }
0xfe: {  	v8 =	vld [tilespmem:s19+$0x19240]  }
.Ltmp9:
0xff: {  	[tilespmem:s19+$0x1C200] =	vst v3;
	v1 =	vmul.f32 $5.000000000e-01, v4;
	v4 =	vadd.f32 v2, v5;
	v2 =	vld [tilespmem:s19+$0x16250];
	(pc) =	sbr.rel @p1 .LBB2_12-.Ltmp9, $4  }
0x100: {  	v3 =	vld [tilespmem:s19+$0x19250]  }
0x101: {  	[tilespmem:s19+$0x1C210] =	vst v1;
	v5 =	vmul.f32 $5.000000000e-01, v4;
	v7 =	vadd.f32 v0, v7;
	v0 =	vld [tilespmem:s19+$0x16260]  }
0x102: {  	s20 =	sshra.s32 s21, $0x2;
	v4 =	vld [tilespmem:s19+$0x19260]  }
0x103: {  	s21 =	sadd.s32 $0x200, s21;
	v1 =	vld [tilespmem:s20+$0x16270];
	[tilespmem:s19+$0x1C220] =	vst v5;
	v5 =	vmul.f32 $5.000000000e-01, v7;
	v6 =	vadd.f32 v8, v6  }
0x104: {  	v7 =	vld [tilespmem:s20+$0x19270]  }
0x105: {  	v8 =	vld [tilespmem:s20+$0x16200];
	[tilespmem:s19+$0x1C230] =	vst v5;
	v48 =	vmul.f32 $5.000000000e-01, v6;
	v2 =	vadd.f32 v3, v2  }
0x106: {  	v49 =	vld [tilespmem:s20+$0x19200]  }
0x107: {  	v50 =	vld [tilespmem:s20+$0x16210];
	[tilespmem:s19+$0x1C240] =	vst v48;
	v2 =	vmul.f32 $5.000000000e-01, v2;
	v0 =	vadd.f32 v4, v0  }
0x108: {  	v5 =	vld [tilespmem:s20+$0x19210]  }
0x109: {  	v51 =	vld [tilespmem:s20+$0x16220];
	[tilespmem:s19+$0x1C250] =	vst v2;
	v0 =	vmul.f32 $5.000000000e-01, v0  }
0x10a: {  	v2 =	vld [tilespmem:s20+$0x19220]  }
0x10b: {  	v52 =	vld [tilespmem:s20+$0x16230];
	[tilespmem:s19+$0x1C260] =	vst v0  }
0x10c: {  	v54 =	vld [tilespmem:s20+$0x19230]  }
0x10d: {  	v55 =	vld [tilespmem:s20+$0x16240]  }
0x10e: {  	v57 =	vld [tilespmem:s20+$0x19240]  }
0x10f: {  	v59 =	vld [tilespmem:s20+$0x16250]  }
0x110: {  	v1 =	vadd.f32 v7, v1;
	v60 =	vld [tilespmem:s20+$0x19250]  }
0x111: {  	v53 =	vadd.f32 v49, v8;
	v61 =	vld [tilespmem:s20+$0x16260]  }
0x112: {  	v1 =	vmul.f32 $5.000000000e-01, v1;
	v9 =	vld [tilespmem:s20+$0x19260];
	v56 =	vadd.f32 v5, v50  }
0x113: {  	v0 =	vmul.f32 $5.000000000e-01, v53;
	v2 =	vadd.f32 v2, v51  }
0x114: {  	[tilespmem:s20+$0x1C270] =	vst v1;
	v58 =	vmul.f32 $5.000000000e-01, v56;
	v62 =	vadd.f32 v54, v52  }
0x115: {  	[tilespmem:s20+$0x1C200] =	vst v0;
	v2 =	vmul.f32 $5.000000000e-01, v2;
	v3 =	vadd.f32 v57, v55  }
0x116: {  	[tilespmem:s20+$0x1C210] =	vst v58;
	v1 =	vadd.f32 v60, v59;
	v4 =	vmul.f32 $5.000000000e-01, v62  }
0x117: {  	s18 =	smul.u32 $0x3000, s18;
	v0 =	vadd.f32 v9, v61;
	[tilespmem:s20+$0x1C220] =	vst v2;
	v63 =	vmul.f32 $5.000000000e-01, v3  }
.Ltmp10:
0x118: {  	v1 =	vmul.f32 $5.000000000e-01, v1;
	[tilespmem:s20+$0x1C230] =	vst v4;
	(pc) =	sbr.rel .LBB2_14-.Ltmp10, $4  }
0x119: {  	v0 =	vmul.f32 $5.000000000e-01, v0;
	[tilespmem:s20+$0x1C240] =	vst v63  }
0x11a: {  	s18 =	sshrl.u32 s18, $0x3;
	[tilespmem:s20+$0x1C250] =	vst v1  }
0x11b: {  	s18 =	sadd.s32 s3, s18;
	[tilespmem:s20+$0x1C260] =	vst v0  }
0x11c: {  	[hbm4b:s18+s4] =	stream.linear.scatter [tilespmem:s26], [sflag:$0x7], $0x3000, $0x38;
	[tilespmem:$0x1F200] =	vst v63  }
.LBB2_16:
0x11d: {  	_ =	sfence.sel $0x180000  }
0x11e: {  	[bflag:$0x0] =	sbarrier.arrive $0xFFFF  }
0x11f: {  	_ =	strace $0x90000047  }
0x120: {  	s0 =	stileid.u32;
	[bflag:$0x2] =	sbarrier.arrive $0xFFFF  }
0x121: {  	p0 =	sne.s32 s0, $0x0;
	s0 =	rddreg [dreg:$0x3]  }
0x122: {  	s0 =	sadd.s32 @!p0 $0x100000, s0  }
0x123: {  	[sflag:s0] =	ssyncadd.tile.s32 @!p0 $0x1;
	_ =	shalt  }
.Lfunc_end2:
_tile_overlayer_lowered:
.L_overlay_start_2:
0x124: {  	(tag) =	ssettag $0x2  }
0x125: {  	s0 =	rddreg [dreg:$0x0];
	s2 =	stileid.u32  }
0x126: {  	s1 =	rddreg [dreg:$0x1];
	p0 =	sne.s32 s2, $0x0  }
0x127: {  	s3 =	rddreg [dreg:$0x2];
	[bflag:$0x3] =	sbarrier.arrive $0xFFFF;
	s2 =	simm.s32 @!p0 $0x1C08  }
0x128: {  	[timem:s3], [sflag:s2] =	dma.local @!p0 [hbm:s0], s1  }
0x129: {  	s0 =	simm.s32 @!p0 $0x8  }
0x12a: {  	_ =	swait.ge @!p0 [sflag:s0], s1  }
0x12b: {  	s1 =	ssub.s32 @!p0 $0x0, s1;
	[sflag:s0] =	ssyncset.done @!p0 $0x0  }
0x12c: {  	[sflag:s0] =	ssyncadd.s32 @!p0 s1  }
0x12d: {  	[bflag:$0x3] =	sbarrier.arrive $0xFFFF  }
0x12e: {  	_ =	shalt  }

</sc_bundles>
